<compile_context>
chip_gen: v7x
topology: tpu7x:2x2x1
jax: 0.10.2.dev20260603
libtpu: 0.0.44.dev20260713+nightly
codegen_flags: <defaults>
</compile_context>

<pallas_src>
import functools

import jax
import jax.numpy as jnp
from jax import lax
from jax.experimental import pallas as pl
from jax.experimental.pallas import tpu as pltpu
from jax.experimental.pallas import tpu_sc as plsc

_NW = 32
_T = 64


def _wid():
    return lax.axis_index("s") * 2 + lax.axis_index("c")


def _build_inv(idx_hbm, idx_v, inv_v, nk):
    pltpu.sync_copy(idx_hbm, idx_v)
    iota = lax.iota(jnp.int32, 16)

    def body(k, carry):
        for c in range(8):
            q = idx_v[k, pl.ds(c * 16, 16)]
            plsc.store_scatter(inv_v, [q], iota + (k * 128 + c * 16))
        return carry

    lax.fori_loop(0, nk, body, 0)


def _sc_scatter_x(x, idx2, nslots):
    total, d = x.shape
    nk = idx2.shape[0]
    rpw = total // _NW
    nq = rpw // 16
    mesh = plsc.VectorSubcoreMesh(core_axis_name="c", subcore_axis_name="s")

    @functools.partial(
        pl.kernel,
        mesh=mesh,
        out_type=jax.ShapeDtypeStruct((nslots, d), jnp.float32),
        scratch_types=[
            pltpu.VMEM((nk, 128), jnp.int32),
            pltpu.VMEM((total + 16,), jnp.int32),
            pltpu.VMEM((rpw, d), jnp.float32),
            pltpu.SemaphoreType.DMA,
            pltpu.SemaphoreType.DMA,
        ],
        compiler_params=pltpu.CompilerParams(needs_layout_passes=False),
    )
    def k(x_hbm, idx_hbm, out_hbm, idx_v, inv_v, buf, rsem, wsem):
        w = _wid()
        rd = pltpu.async_copy(x_hbm.at[pl.ds(w * rpw, rpw)], buf, rsem)
        _build_inv(idx_hbm, idx_v, inv_v, nk)
        rd.wait()
        iota = lax.iota(jnp.int32, 16)
        hs = []
        for c in range(nq):
            q = plsc.load_gather(inv_v, [iota + (w * rpw + c * 16)])
            hs.append(pltpu.async_copy(
                buf.at[pl.ds(c * 16, 16)], out_hbm.at[q], wsem))
        for h in hs:
            h.wait()

    return k(x, idx2)


def _sc_gather_out(path_flat, idx2, total):
    d = path_flat.shape[1]
    nk = idx2.shape[0]
    rpw = total // _NW
    nq = rpw // 16
    mesh = plsc.VectorSubcoreMesh(core_axis_name="c", subcore_axis_name="s")

    @functools.partial(
        pl.kernel,
        mesh=mesh,
        out_type=jax.ShapeDtypeStruct((total, d), jnp.float32),
        scratch_types=[
            pltpu.VMEM((nk, 128), jnp.int32),
            pltpu.VMEM((total + 16,), jnp.int32),
            pltpu.VMEM((rpw, d), jnp.float32),
            pltpu.SemaphoreType.DMA,
        ],
        compiler_params=pltpu.CompilerParams(needs_layout_passes=False),
    )
    def k(path_hbm, idx_hbm, out_hbm, idx_v, inv_v, buf, sem):
        w = _wid()
        _build_inv(idx_hbm, idx_v, inv_v, nk)
        iota = lax.iota(jnp.int32, 16)
        hs = []
        for c in range(nq):
            q = plsc.load_gather(inv_v, [iota + (w * rpw + c * 16)])
            hs.append(pltpu.async_copy(
                path_hbm.at[q], buf.at[pl.ds(c * 16, 16)], sem))
        for h in hs:
            h.wait()
        pltpu.sync_copy(buf, out_hbm.at[pl.ds(w * rpw, rpw)])

    return k(path_flat, idx2)


def _scan_body(u_ref, wi_ref, bi_ref, wh_ref, bh_ref, o_ref, xw_ref, h_ref):
    pid = pl.program_id(0)

    @pl.when(pid == 0)
    def _():
        h_ref[...] = jnp.zeros_like(h_ref)

    b = o_ref.shape[1]
    d = wh_ref.shape[0]
    u = u_ref[...].reshape(_T * b, d).astype(jnp.bfloat16)
    xw_ref[...] = (
        jnp.dot(u, wi_ref[...], preferred_element_type=jnp.float32)
        + bi_ref[...]
    ).astype(jnp.bfloat16)
    wh = wh_ref[...]
    bh = bh_ref[...]

    def step(t, h):
        xw = xw_ref[pl.ds(t * b, b), :]
        hU = jnp.dot(h.astype(jnp.bfloat16), wh,
                     preferred_element_type=jnp.float32) + bh
        r = jax.nn.sigmoid(xw[:, :d] + hU[:, :d])
        z = jax.nn.sigmoid(xw[:, d:2 * d] + hU[:, d:2 * d])
        n = jnp.tanh(xw[:, 2 * d:] + r * hU[:, 2 * d:])
        hnew = n + z * (h - n)
        o_ref[t] = hnew
        return hnew

    h_ref[...] = lax.fori_loop(0, _T, step, h_ref[...], unroll=16)


def _gru_scan(unflat, W_i, b_i, W_h, b_h):
    l, b, d = unflat.shape
    n3 = W_i.shape[1]
    return pl.pallas_call(
        _scan_body,
        grid=(l // _T,),
        in_specs=[
            pl.BlockSpec((_T, b, d), lambda i: (i, 0, 0)),
            pl.BlockSpec((d, n3), lambda i: (0, 0)),
            pl.BlockSpec((1, n3), lambda i: (0, 0)),
            pl.BlockSpec((d, n3), lambda i: (0, 0)),
            pl.BlockSpec((1, n3), lambda i: (0, 0)),
        ],
        out_specs=pl.BlockSpec((_T, b, d), lambda i: (i, 0, 0)),
        out_shape=jax.ShapeDtypeStruct((l, b, d), jnp.float32),
        scratch_shapes=[
            pltpu.VMEM((_T * b, n3), jnp.bfloat16),
            pltpu.VMEM((b, d), jnp.float32),
        ],
        compiler_params=pltpu.CompilerParams(
            dimension_semantics=("arbitrary",)),
    )(unflat, W_i.astype(jnp.bfloat16), b_i.reshape(1, n3),
      W_h.astype(jnp.bfloat16), b_h.reshape(1, n3))


def kernel(cfg_nodes_encodings, W_i, W_h, b_i, b_h, permutations,
           unflattener_mask, lengths):
    x = cfg_nodes_encodings
    total, d = x.shape
    bsz, l = permutations.shape

    perm = permutations.astype(jnp.int32)
    idx2 = jnp.where(unflattener_mask, perm, total).T.reshape(
        (l * bsz) // 128, 128).astype(jnp.int32)

    unflat = _sc_scatter_x(x, idx2, l * bsz)
    path = _gru_scan(unflat.reshape(l, bsz, d), W_i, b_i, W_h, b_h)
    return _sc_gather_out(path.reshape(l * bsz, d), idx2, total)

# --- scband reference (transcript-rebuilt; emitter-appended) ---
"""Pipeline reference for scband-cfgsingle-path-macro-encoder-69183333204444 (READ-ONLY COPY).

The authoritative reference and input builder live on the scoring server;
editing this copy changes nothing except your own understanding.
"""

import jax, jax.numpy as jnp
import numpy as np

TOTAL = 4096
B = 16
L = 512
D = 512


def setup_inputs(seed: int = 0) -> dict:
    rng = np.random.RandomState(0)
    lengths = rng.randint(128, 512, size=B).astype(np.int64)
    lengths = np.maximum(1, (lengths * (TOTAL / lengths.sum())).astype(np.int64))
    lengths = np.minimum(lengths, L)
    diff = int(TOTAL - lengths.sum())
    i = 0
    while diff != 0:
        step = 1 if diff > 0 else -1
        if 1 <= lengths[i % B] + step <= L:
            lengths[i % B] += step
            diff -= step
        i += 1
    mask = np.arange(L)[None, :] < lengths[:, None]
    perm_vals = rng.permutation(TOTAL).astype(np.int64)
    permutations = np.zeros((B, L), dtype=np.int64)
    permutations[mask] = perm_vals
    key = jax.random.key(seed)
    k1, k2, k3 = jax.random.split(key, 3)
    x = jax.random.normal(k1, (TOTAL, D), dtype=jnp.float32)
    s = 1.0 / np.sqrt(D)
    W_i = jax.random.uniform(k2, (D, 3 * D), jnp.float32, -s, s)
    W_h = jax.random.uniform(k3, (D, 3 * D), jnp.float32, -s, s)
    b_i = jnp.zeros((3 * D,), jnp.float32)
    b_h = jnp.zeros((3 * D,), jnp.float32)
    return {
        "cfg_nodes_encodings": x,
        "W_i": W_i,
        "W_h": W_h,
        "b_i": b_i,
        "b_h": b_h,
        "permutations": jnp.asarray(permutations),
        "unflattener_mask": jnp.asarray(mask),
        "lengths": jnp.asarray(lengths),
    }


def _gru_seq(x_seq, mask, W_i, W_h, b_i, b_h):
    # x_seq [B,L,D], mask [B,L] -> masked GRU outputs [B,L,D], zeros at padding
    xW = x_seq @ W_i + b_i

    def step(h, inp):
        xw_t, m_t = inp
        hU = h @ W_h + b_h
        xr, xz, xn = jnp.split(xw_t, 3, axis=-1)
        hr, hz, hn = jnp.split(hU, 3, axis=-1)
        r = jax.nn.sigmoid(xr + hr)
        z = jax.nn.sigmoid(xz + hz)
        n = jnp.tanh(xn + r * hn)
        h_new = (1.0 - z) * n + z * h
        h_out = jnp.where(m_t[:, None], h_new, h)
        y = jnp.where(m_t[:, None], h_new, 0.0)
        return h_out, y

    h0 = jnp.zeros((x_seq.shape[0], W_h.shape[0]), x_seq.dtype)
    _, ys = jax.lax.scan(step, h0, (jnp.swapaxes(xW, 0, 1), jnp.swapaxes(mask, 0, 1)))
    return jnp.swapaxes(ys, 0, 1)


def reference(cfg_nodes_encodings, W_i, W_h, b_i, b_h, permutations, unflattener_mask, lengths):
    # random-order path: gather flat node encodings into padded per-example sequences
    unflat = cfg_nodes_encodings[permutations]
    unflat = jnp.where(unflattener_mask[..., None], unflat, 0.0)
    # sequence encoder (single-layer GRU over the permuted path)
    path = _gru_seq(unflat, unflattener_mask, W_i, W_h, b_i, b_h)
    # re-flatten via scatter-overwrite; masked positions routed to dummy row nr_cfg_nodes
    nr = cfg_nodes_encodings.shape[0]
    idx = jnp.where(unflattener_mask, permutations, nr)
    out = jnp.zeros((nr + 1, cfg_nodes_encodings.shape[1]), cfg_nodes_encodings.dtype)
    out = out.at[idx.reshape(-1)].set(path.reshape(-1, path.shape[-1]))
    return out[:-1]

if __name__ == "__main__":
    import jax
    _d = setup_inputs()
    print(jax.jit(kernel)(*tuple(_d.values())))

</pallas_src>

<mosaic_0001>
#map = affine_map<(d0, d1) -> (0, 0)>
module attributes {stable_mosaic.version = 14 : i64} {
  func.func @k(%arg0: i32, %arg1: i32, %arg2: memref<4096x512xf32, #tpu.memory_space<hbm>>, %arg3: memref<64x128xi32, #tpu.memory_space<hbm>>, %arg4: memref<8192x512xf32, #tpu.memory_space<hbm>>, %arg5: memref<64x128xi32, #tpu.memory_space<vmem>>, %arg6: memref<4112xi32, #tpu.memory_space<vmem>>, %arg7: memref<128x512xf32, #tpu.memory_space<vmem>>, %arg8: memref<!tpu.dma_semaphore, #tpu.memory_space<semaphore_mem>>, %arg9: memref<!tpu.dma_semaphore, #tpu.memory_space<semaphore_mem>>) attributes {dimension_semantics = [#tpu.dimension_semantics<core_parallel>, #tpu.dimension_semantics<subcore_parallel>], iteration_bounds = array<i64: 2, 16>, scalar_prefetch = 0 : i64, scratch_operands = 5 : i64, tpu.core_type = #tpu.core_type<sc_vector_subcore>, window_params = [{transform_indices = #map}, {transform_indices = #map}, {transform_indices = #map}]} {
    %mul3A = arith.constant 2 : i32
    %mul3A_0 = arith.muli %arg1, %mul3A : i32
    %add3A = arith.addi %mul3A_0, %arg0 : i32
    %mul3A_1 = arith.constant 128 : i32
    %mul3A_2 = arith.muli %add3A, %mul3A_1 : i32
    %dma_start3A = arith.constant 0 : i32
    %dma_start3A_3 = tpu.memref_slice %arg2[%mul3A_2, %dma_start3A] : memref<4096x512xf32, #tpu.memory_space<hbm>> -> memref<128x512xf32, #tpu.memory_space<hbm>>
    %dma_start3A_4 = arith.constant 0 : i32
    %dma_start3A_5 = tpu.memref_slice %arg2[%mul3A_2, %dma_start3A_4] : memref<4096x512xf32, #tpu.memory_space<hbm>> -> memref<128x512xf32, #tpu.memory_space<hbm>>
    tpu.enqueue_dma source(%dma_start3A_5 : memref<128x512xf32, #tpu.memory_space<hbm>>) target(%arg7 : memref<128x512xf32, #tpu.memory_space<vmem>>) target_semaphore(%arg8 : memref<!tpu.dma_semaphore, #tpu.memory_space<semaphore_mem>>)
    "tpu.region"() ({
      %run_scoped3A = tpu.sem_alloc : memref<!tpu.dma_semaphore, #tpu.memory_space<semaphore_mem>>
      tpu.enqueue_dma source(%arg3 : memref<64x128xi32, #tpu.memory_space<hbm>>) target(%arg5 : memref<64x128xi32, #tpu.memory_space<vmem>>) target_semaphore(%run_scoped3A : memref<!tpu.dma_semaphore, #tpu.memory_space<semaphore_mem>>)
      tpu.wait_dma2 semaphore(%run_scoped3A : memref<!tpu.dma_semaphore, #tpu.memory_space<semaphore_mem>>) src(%arg3 : memref<64x128xi32, #tpu.memory_space<hbm>>) dst(%arg5 : memref<64x128xi32, #tpu.memory_space<vmem>>)
      tpu.yield
    }) : () -> ()
    %iota3A = tpu.iota {dimensions = array<i32: 0>} : vector<16xi32>
    %scan3A = arith.constant 0 : i32
    %scan3A_6 = arith.constant 0 : i32
    %scan3A_7 = arith.constant 64 : i32
    %scan3A_8 = arith.addi %scan3A_6, %scan3A_7 : i32
    %scan3A_9 = arith.constant 1 : i32
    scf.for %scan3A_166 = %scan3A_6 to %scan3A_8 step %scan3A_9  : i32 {
      %get3A = arith.index_cast %scan3A_166 : i32 to index
      %get3A_167 = arith.constant 0 : index
      %get3A_168 = tpu.vector_load %arg5[%get3A, %get3A_167] {strides = array<i32>} : memref<64x128xi32, #tpu.memory_space<vmem>>, vector<16xi32>,
      %mul3A_169 = arith.constant 128 : i32
      %mul3A_170 = arith.muli %scan3A_166, %mul3A_169 : i32
      %add3A_171 = arith.constant 0 : i32
      %add3A_172 = arith.addi %mul3A_170, %add3A_171 : i32
      %add3A_173 = vector.broadcast %add3A_172 : i32 to vector<16xi32>
      %add3A_174 = arith.addi %iota3A, %add3A_173 : vector<16xi32>
      tpu.vector_store_idx %arg6[%get3A_168], %add3A_174 : memref<4112xi32, #tpu.memory_space<vmem>>[vector<16xi32>], vector<16xi32>,
      %get3A_175 = arith.index_cast %scan3A_166 : i32 to index
      %get3A_176 = arith.constant 16 : index
      %get3A_177 = tpu.vector_load %arg5[%get3A_175, %get3A_176] {strides = array<i32>} : memref<64x128xi32, #tpu.memory_space<vmem>>, vector<16xi32>,
      %mul3A_178 = arith.constant 128 : i32
      %mul3A_179 = arith.muli %scan3A_166, %mul3A_178 : i32
      %add3A_180 = arith.constant 16 : i32
      %add3A_181 = arith.addi %mul3A_179, %add3A_180 : i32
      %add3A_182 = vector.broadcast %add3A_181 : i32 to vector<16xi32>
      %add3A_183 = arith.addi %iota3A, %add3A_182 : vector<16xi32>
      tpu.vector_store_idx %arg6[%get3A_177], %add3A_183 : memref<4112xi32, #tpu.memory_space<vmem>>[vector<16xi32>], vector<16xi32>,
      %get3A_184 = arith.index_cast %scan3A_166 : i32 to index
      %get3A_185 = arith.constant 32 : index
      %get3A_186 = tpu.vector_load %arg5[%get3A_184, %get3A_185] {strides = array<i32>} : memref<64x128xi32, #tpu.memory_space<vmem>>, vector<16xi32>,
      %mul3A_187 = arith.constant 128 : i32
      %mul3A_188 = arith.muli %scan3A_166, %mul3A_187 : i32
      %add3A_189 = arith.constant 32 : i32
      %add3A_190 = arith.addi %mul3A_188, %add3A_189 : i32
      %add3A_191 = vector.broadcast %add3A_190 : i32 to vector<16xi32>
      %add3A_192 = arith.addi %iota3A, %add3A_191 : vector<16xi32>
      tpu.vector_store_idx %arg6[%get3A_186], %add3A_192 : memref<4112xi32, #tpu.memory_space<vmem>>[vector<16xi32>], vector<16xi32>,
      %get3A_193 = arith.index_cast %scan3A_166 : i32 to index
      %get3A_194 = arith.constant 48 : index
      %get3A_195 = tpu.vector_load %arg5[%get3A_193, %get3A_194] {strides = array<i32>} : memref<64x128xi32, #tpu.memory_space<vmem>>, vector<16xi32>,
      %mul3A_196 = arith.constant 128 : i32
      %mul3A_197 = arith.muli %scan3A_166, %mul3A_196 : i32
      %add3A_198 = arith.constant 48 : i32
      %add3A_199 = arith.addi %mul3A_197, %add3A_198 : i32
      %add3A_200 = vector.broadcast %add3A_199 : i32 to vector<16xi32>
      %add3A_201 = arith.addi %iota3A, %add3A_200 : vector<16xi32>
      tpu.vector_store_idx %arg6[%get3A_195], %add3A_201 : memref<4112xi32, #tpu.memory_space<vmem>>[vector<16xi32>], vector<16xi32>,
      %get3A_202 = arith.index_cast %scan3A_166 : i32 to index
      %get3A_203 = arith.constant 64 : index
      %get3A_204 = tpu.vector_load %arg5[%get3A_202, %get3A_203] {strides = array<i32>} : memref<64x128xi32, #tpu.memory_space<vmem>>, vector<16xi32>,
      %mul3A_205 = arith.constant 128 : i32
      %mul3A_206 = arith.muli %scan3A_166, %mul3A_205 : i32
      %add3A_207 = arith.constant 64 : i32
      %add3A_208 = arith.addi %mul3A_206, %add3A_207 : i32
      %add3A_209 = vector.broadcast %add3A_208 : i32 to vector<16xi32>
      %add3A_210 = arith.addi %iota3A, %add3A_209 : vector<16xi32>
      tpu.vector_store_idx %arg6[%get3A_204], %add3A_210 : memref<4112xi32, #tpu.memory_space<vmem>>[vector<16xi32>], vector<16xi32>,
      %get3A_211 = arith.index_cast %scan3A_166 : i32 to index
      %get3A_212 = arith.constant 80 : index
      %get3A_213 = tpu.vector_load %arg5[%get3A_211, %get3A_212] {strides = array<i32>} : memref<64x128xi32, #tpu.memory_space<vmem>>, vector<16xi32>,
      %mul3A_214 = arith.constant 128 : i32
      %mul3A_215 = arith.muli %scan3A_166, %mul3A_214 : i32
      %add3A_216 = arith.constant 80 : i32
      %add3A_217 = arith.addi %mul3A_215, %add3A_216 : i32
      %add3A_218 = vector.broadcast %add3A_217 : i32 to vector<16xi32>
      %add3A_219 = arith.addi %iota3A, %add3A_218 : vector<16xi32>
      tpu.vector_store_idx %arg6[%get3A_213], %add3A_219 : memref<4112xi32, #tpu.memory_space<vmem>>[vector<16xi32>], vector<16xi32>,
      %get3A_220 = arith.index_cast %scan3A_166 : i32 to index
      %get3A_221 = arith.constant 96 : index
      %get3A_222 = tpu.vector_load %arg5[%get3A_220, %get3A_221] {strides = array<i32>} : memref<64x128xi32, #tpu.memory_space<vmem>>, vector<16xi32>,
      %mul3A_223 = arith.constant 128 : i32
      %mul3A_224 = arith.muli %scan3A_166, %mul3A_223 : i32
      %add3A_225 = arith.constant 96 : i32
      %add3A_226 = arith.addi %mul3A_224, %add3A_225 : i32
      %add3A_227 = vector.broadcast %add3A_226 : i32 to vector<16xi32>
      %add3A_228 = arith.addi %iota3A, %add3A_227 : vector<16xi32>
      tpu.vector_store_idx %arg6[%get3A_222], %add3A_228 : memref<4112xi32, #tpu.memory_space<vmem>>[vector<16xi32>], vector<16xi32>,
      %get3A_229 = arith.index_cast %scan3A_166 : i32 to index
      %get3A_230 = arith.constant 112 : index
      %get3A_231 = tpu.vector_load %arg5[%get3A_229, %get3A_230] {strides = array<i32>} : memref<64x128xi32, #tpu.memory_space<vmem>>, vector<16xi32>,
      %mul3A_232 = arith.constant 128 : i32
      %mul3A_233 = arith.muli %scan3A_166, %mul3A_232 : i32
      %add3A_234 = arith.constant 112 : i32
      %add3A_235 = arith.addi %mul3A_233, %add3A_234 : i32
      %add3A_236 = vector.broadcast %add3A_235 : i32 to vector<16xi32>
      %add3A_237 = arith.addi %iota3A, %add3A_236 : vector<16xi32>
      tpu.vector_store_idx %arg6[%get3A_231], %add3A_237 : memref<4112xi32, #tpu.memory_space<vmem>>[vector<16xi32>], vector<16xi32>,
    }
    %scan3A_10 = arith.constant 64 : i32
    %dma_wait3A = arith.constant 0 : i32
    %dma_wait3A_11 = tpu.memref_slice %arg2[%mul3A_2, %dma_wait3A] : memref<4096x512xf32, #tpu.memory_space<hbm>> -> memref<128x512xf32, #tpu.memory_space<hbm>>
    %dma_wait3A_12 = arith.constant 0 : i32
    %dma_wait3A_13 = tpu.memref_slice %arg2[%mul3A_2, %dma_wait3A_12] : memref<4096x512xf32, #tpu.memory_space<hbm>> -> memref<128x512xf32, #tpu.memory_space<hbm>>
    tpu.wait_dma2 semaphore(%arg8 : memref<!tpu.dma_semaphore, #tpu.memory_space<semaphore_mem>>) src(%dma_wait3A_13 : memref<128x512xf32, #tpu.memory_space<hbm>>) dst(%arg7 : memref<128x512xf32, #tpu.memory_space<vmem>>)
    %iota3A_14 = tpu.iota {dimensions = array<i32: 0>} : vector<16xi32>
    %mul3A_15 = arith.constant 128 : i32
    %mul3A_16 = arith.muli %add3A, %mul3A_15 : i32
    %add3A_17 = arith.constant 0 : i32
    %add3A_18 = arith.addi %mul3A_16, %add3A_17 : i32
    %add3A_19 = vector.broadcast %add3A_18 : i32 to vector<16xi32>
    %add3A_20 = arith.addi %iota3A_14, %add3A_19 : vector<16xi32>
    %gather3A = tpu.vector_load_idx %arg6[%add3A_20] : memref<4112xi32, #tpu.memory_space<vmem>>[vector<16xi32>], vector<16xi32>,
    %dma_start3A_21 = arith.constant 0 : i32
    %dma_start3A_22 = arith.constant 0 : i32
    %dma_start3A_23 = tpu.memref_slice %arg7[%dma_start3A_21, %dma_start3A_22] : memref<128x512xf32, #tpu.memory_space<vmem>> -> memref<16x512xf32, #tpu.memory_space<vmem>>
    %dma_start3A_24 = arith.constant 0 : i32
    %dma_start3A_25 = arith.constant 0 : i32
    %dma_start3A_26 = tpu.memref_slice %arg4[%dma_start3A_24, %dma_start3A_25] : memref<8192x512xf32, #tpu.memory_space<hbm>> -> memref<8192x512xf32, #tpu.memory_space<hbm>>
    tpu.enqueue_indirect_dma source(%dma_start3A_23 : memref<16x512xf32, #tpu.memory_space<vmem>>) target(%dma_start3A_26 : memref<8192x512xf32, #tpu.memory_space<hbm>>) offsets(%gather3A : vector<16xi32>) semaphore(%arg9 : memref<!tpu.dma_semaphore, #tpu.memory_space<semaphore_mem>>)
    %mul3A_27 = arith.constant 128 : i32
    %mul3A_28 = arith.muli %add3A, %mul3A_27 : i32
    %add3A_29 = arith.constant 16 : i32
    %add3A_30 = arith.addi %mul3A_28, %add3A_29 : i32
    %add3A_31 = vector.broadcast %add3A_30 : i32 to vector<16xi32>
    %add3A_32 = arith.addi %iota3A_14, %add3A_31 : vector<16xi32>
    %gather3A_33 = tpu.vector_load_idx %arg6[%add3A_32] : memref<4112xi32, #tpu.memory_space<vmem>>[vector<16xi32>], vector<16xi32>,
    %dma_start3A_34 = arith.constant 16 : i32
    %dma_start3A_35 = arith.constant 0 : i32
    %dma_start3A_36 = tpu.memref_slice %arg7[%dma_start3A_34, %dma_start3A_35] : memref<128x512xf32, #tpu.memory_space<vmem>> -> memref<16x512xf32, #tpu.memory_space<vmem>>
    %dma_start3A_37 = arith.constant 0 : i32
    %dma_start3A_38 = arith.constant 0 : i32
    %dma_start3A_39 = tpu.memref_slice %arg4[%dma_start3A_37, %dma_start3A_38] : memref<8192x512xf32, #tpu.memory_space<hbm>> -> memref<8192x512xf32, #tpu.memory_space<hbm>>
    tpu.enqueue_indirect_dma source(%dma_start3A_36 : memref<16x512xf32, #tpu.memory_space<vmem>>) target(%dma_start3A_39 : memref<8192x512xf32, #tpu.memory_space<hbm>>) offsets(%gather3A_33 : vector<16xi32>) semaphore(%arg9 : memref<!tpu.dma_semaphore, #tpu.memory_space<semaphore_mem>>)
    %mul3A_40 = arith.constant 128 : i32
    %mul3A_41 = arith.muli %add3A, %mul3A_40 : i32
    %add3A_42 = arith.constant 32 : i32
    %add3A_43 = arith.addi %mul3A_41, %add3A_42 : i32
    %add3A_44 = vector.broadcast %add3A_43 : i32 to vector<16xi32>
    %add3A_45 = arith.addi %iota3A_14, %add3A_44 : vector<16xi32>
    %gather3A_46 = tpu.vector_load_idx %arg6[%add3A_45] : memref<4112xi32, #tpu.memory_space<vmem>>[vector<16xi32>], vector<16xi32>,
    %dma_start3A_47 = arith.constant 32 : i32
    %dma_start3A_48 = arith.constant 0 : i32
    %dma_start3A_49 = tpu.memref_slice %arg7[%dma_start3A_47, %dma_start3A_48] : memref<128x512xf32, #tpu.memory_space<vmem>> -> memref<16x512xf32, #tpu.memory_space<vmem>>
    %dma_start3A_50 = arith.constant 0 : i32
    %dma_start3A_51 = arith.constant 0 : i32
    %dma_start3A_52 = tpu.memref_slice %arg4[%dma_start3A_50, %dma_start3A_51] : memref<8192x512xf32, #tpu.memory_space<hbm>> -> memref<8192x512xf32, #tpu.memory_space<hbm>>
    tpu.enqueue_indirect_dma source(%dma_start3A_49 : memref<16x512xf32, #tpu.memory_space<vmem>>) target(%dma_start3A_52 : memref<8192x512xf32, #tpu.memory_space<hbm>>) offsets(%gather3A_46 : vector<16xi32>) semaphore(%arg9 : memref<!tpu.dma_semaphore, #tpu.memory_space<semaphore_mem>>)
    %mul3A_53 = arith.constant 128 : i32
    %mul3A_54 = arith.muli %add3A, %mul3A_53 : i32
    %add3A_55 = arith.constant 48 : i32
    %add3A_56 = arith.addi %mul3A_54, %add3A_55 : i32
    %add3A_57 = vector.broadcast %add3A_56 : i32 to vector<16xi32>
    %add3A_58 = arith.addi %iota3A_14, %add3A_57 : vector<16xi32>
    %gather3A_59 = tpu.vector_load_idx %arg6[%add3A_58] : memref<4112xi32, #tpu.memory_space<vmem>>[vector<16xi32>], vector<16xi32>,
    %dma_start3A_60 = arith.constant 48 : i32
    %dma_start3A_61 = arith.constant 0 : i32
    %dma_start3A_62 = tpu.memref_slice %arg7[%dma_start3A_60, %dma_start3A_61] : memref<128x512xf32, #tpu.memory_space<vmem>> -> memref<16x512xf32, #tpu.memory_space<vmem>>
    %dma_start3A_63 = arith.constant 0 : i32
    %dma_start3A_64 = arith.constant 0 : i32
    %dma_start3A_65 = tpu.memref_slice %arg4[%dma_start3A_63, %dma_start3A_64] : memref<8192x512xf32, #tpu.memory_space<hbm>> -> memref<8192x512xf32, #tpu.memory_space<hbm>>
    tpu.enqueue_indirect_dma source(%dma_start3A_62 : memref<16x512xf32, #tpu.memory_space<vmem>>) target(%dma_start3A_65 : memref<8192x512xf32, #tpu.memory_space<hbm>>) offsets(%gather3A_59 : vector<16xi32>) semaphore(%arg9 : memref<!tpu.dma_semaphore, #tpu.memory_space<semaphore_mem>>)
    %mul3A_66 = arith.constant 128 : i32
    %mul3A_67 = arith.muli %add3A, %mul3A_66 : i32
    %add3A_68 = arith.constant 64 : i32
    %add3A_69 = arith.addi %mul3A_67, %add3A_68 : i32
    %add3A_70 = vector.broadcast %add3A_69 : i32 to vector<16xi32>
    %add3A_71 = arith.addi %iota3A_14, %add3A_70 : vector<16xi32>
    %gather3A_72 = tpu.vector_load_idx %arg6[%add3A_71] : memref<4112xi32, #tpu.memory_space<vmem>>[vector<16xi32>], vector<16xi32>,
    %dma_start3A_73 = arith.constant 64 : i32
    %dma_start3A_74 = arith.constant 0 : i32
    %dma_start3A_75 = tpu.memref_slice %arg7[%dma_start3A_73, %dma_start3A_74] : memref<128x512xf32, #tpu.memory_space<vmem>> -> memref<16x512xf32, #tpu.memory_space<vmem>>
    %dma_start3A_76 = arith.constant 0 : i32
    %dma_start3A_77 = arith.constant 0 : i32
    %dma_start3A_78 = tpu.memref_slice %arg4[%dma_start3A_76, %dma_start3A_77] : memref<8192x512xf32, #tpu.memory_space<hbm>> -> memref<8192x512xf32, #tpu.memory_space<hbm>>
    tpu.enqueue_indirect_dma source(%dma_start3A_75 : memref<16x512xf32, #tpu.memory_space<vmem>>) target(%dma_start3A_78 : memref<8192x512xf32, #tpu.memory_space<hbm>>) offsets(%gather3A_72 : vector<16xi32>) semaphore(%arg9 : memref<!tpu.dma_semaphore, #tpu.memory_space<semaphore_mem>>)
    %mul3A_79 = arith.constant 128 : i32
    %mul3A_80 = arith.muli %add3A, %mul3A_79 : i32
    %add3A_81 = arith.constant 80 : i32
    %add3A_82 = arith.addi %mul3A_80, %add3A_81 : i32
    %add3A_83 = vector.broadcast %add3A_82 : i32 to vector<16xi32>
    %add3A_84 = arith.addi %iota3A_14, %add3A_83 : vector<16xi32>
    %gather3A_85 = tpu.vector_load_idx %arg6[%add3A_84] : memref<4112xi32, #tpu.memory_space<vmem>>[vector<16xi32>], vector<16xi32>,
    %dma_start3A_86 = arith.constant 80 : i32
    %dma_start3A_87 = arith.constant 0 : i32
    %dma_start3A_88 = tpu.memref_slice %arg7[%dma_start3A_86, %dma_start3A_87] : memref<128x512xf32, #tpu.memory_space<vmem>> -> memref<16x512xf32, #tpu.memory_space<vmem>>
    %dma_start3A_89 = arith.constant 0 : i32
    %dma_start3A_90 = arith.constant 0 : i32
    %dma_start3A_91 = tpu.memref_slice %arg4[%dma_start3A_89, %dma_start3A_90] : memref<8192x512xf32, #tpu.memory_space<hbm>> -> memref<8192x512xf32, #tpu.memory_space<hbm>>
    tpu.enqueue_indirect_dma source(%dma_start3A_88 : memref<16x512xf32, #tpu.memory_space<vmem>>) target(%dma_start3A_91 : memref<8192x512xf32, #tpu.memory_space<hbm>>) offsets(%gather3A_85 : vector<16xi32>) semaphore(%arg9 : memref<!tpu.dma_semaphore, #tpu.memory_space<semaphore_mem>>)
    %mul3A_92 = arith.constant 128 : i32
    %mul3A_93 = arith.muli %add3A, %mul3A_92 : i32
    %add3A_94 = arith.constant 96 : i32
    %add3A_95 = arith.addi %mul3A_93, %add3A_94 : i32
    %add3A_96 = vector.broadcast %add3A_95 : i32 to vector<16xi32>
    %add3A_97 = arith.addi %iota3A_14, %add3A_96 : vector<16xi32>
    %gather3A_98 = tpu.vector_load_idx %arg6[%add3A_97] : memref<4112xi32, #tpu.memory_space<vmem>>[vector<16xi32>], vector<16xi32>,
    %dma_start3A_99 = arith.constant 96 : i32
    %dma_start3A_100 = arith.constant 0 : i32
    %dma_start3A_101 = tpu.memref_slice %arg7[%dma_start3A_99, %dma_start3A_100] : memref<128x512xf32, #tpu.memory_space<vmem>> -> memref<16x512xf32, #tpu.memory_space<vmem>>
    %dma_start3A_102 = arith.constant 0 : i32
    %dma_start3A_103 = arith.constant 0 : i32
    %dma_start3A_104 = tpu.memref_slice %arg4[%dma_start3A_102, %dma_start3A_103] : memref<8192x512xf32, #tpu.memory_space<hbm>> -> memref<8192x512xf32, #tpu.memory_space<hbm>>
    tpu.enqueue_indirect_dma source(%dma_start3A_101 : memref<16x512xf32, #tpu.memory_space<vmem>>) target(%dma_start3A_104 : memref<8192x512xf32, #tpu.memory_space<hbm>>) offsets(%gather3A_98 : vector<16xi32>) semaphore(%arg9 : memref<!tpu.dma_semaphore, #tpu.memory_space<semaphore_mem>>)
    %mul3A_105 = arith.constant 128 : i32
    %mul3A_106 = arith.muli %add3A, %mul3A_105 : i32
    %add3A_107 = arith.constant 112 : i32
    %add3A_108 = arith.addi %mul3A_106, %add3A_107 : i32
    %add3A_109 = vector.broadcast %add3A_108 : i32 to vector<16xi32>
    %add3A_110 = arith.addi %iota3A_14, %add3A_109 : vector<16xi32>
    %gather3A_111 = tpu.vector_load_idx %arg6[%add3A_110] : memref<4112xi32, #tpu.memory_space<vmem>>[vector<16xi32>], vector<16xi32>,
    %dma_start3A_112 = arith.constant 112 : i32
    %dma_start3A_113 = arith.constant 0 : i32
    %dma_start3A_114 = tpu.memref_slice %arg7[%dma_start3A_112, %dma_start3A_113] : memref<128x512xf32, #tpu.memory_space<vmem>> -> memref<16x512xf32, #tpu.memory_space<vmem>>
    %dma_start3A_115 = arith.constant 0 : i32
    %dma_start3A_116 = arith.constant 0 : i32
    %dma_start3A_117 = tpu.memref_slice %arg4[%dma_start3A_115, %dma_start3A_116] : memref<8192x512xf32, #tpu.memory_space<hbm>> -> memref<8192x512xf32, #tpu.memory_space<hbm>>
    tpu.enqueue_indirect_dma source(%dma_start3A_114 : memref<16x512xf32, #tpu.memory_space<vmem>>) target(%dma_start3A_117 : memref<8192x512xf32, #tpu.memory_space<hbm>>) offsets(%gather3A_111 : vector<16xi32>) semaphore(%arg9 : memref<!tpu.dma_semaphore, #tpu.memory_space<semaphore_mem>>)
    %dma_wait3A_118 = arith.constant 0 : i32
    %dma_wait3A_119 = arith.constant 0 : i32
    %dma_wait3A_120 = tpu.memref_slice %arg7[%dma_wait3A_118, %dma_wait3A_119] : memref<128x512xf32, #tpu.memory_space<vmem>> -> memref<16x512xf32, #tpu.memory_space<vmem>>
    %dma_wait3A_121 = arith.constant 0 : i32
    %dma_wait3A_122 = arith.constant 0 : i32
    %dma_wait3A_123 = tpu.memref_slice %arg4[%dma_wait3A_121, %dma_wait3A_122] : memref<8192x512xf32, #tpu.memory_space<hbm>> -> memref<8192x512xf32, #tpu.memory_space<hbm>>
    tpu.wait_indirect_dma semaphore(%arg9 : memref<!tpu.dma_semaphore, #tpu.memory_space<semaphore_mem>>) src(%dma_wait3A_120 : memref<16x512xf32, #tpu.memory_space<vmem>>) dst(%dma_wait3A_123 : memref<8192x512xf32, #tpu.memory_space<hbm>>)
    %dma_wait3A_124 = arith.constant 16 : i32
    %dma_wait3A_125 = arith.constant 0 : i32
    %dma_wait3A_126 = tpu.memref_slice %arg7[%dma_wait3A_124, %dma_wait3A_125] : memref<128x512xf32, #tpu.memory_space<vmem>> -> memref<16x512xf32, #tpu.memory_space<vmem>>
    %dma_wait3A_127 = arith.constant 0 : i32
    %dma_wait3A_128 = arith.constant 0 : i32
    %dma_wait3A_129 = tpu.memref_slice %arg4[%dma_wait3A_127, %dma_wait3A_128] : memref<8192x512xf32, #tpu.memory_space<hbm>> -> memref<8192x512xf32, #tpu.memory_space<hbm>>
    tpu.wait_indirect_dma semaphore(%arg9 : memref<!tpu.dma_semaphore, #tpu.memory_space<semaphore_mem>>) src(%dma_wait3A_126 : memref<16x512xf32, #tpu.memory_space<vmem>>) dst(%dma_wait3A_129 : memref<8192x512xf32, #tpu.memory_space<hbm>>)
    %dma_wait3A_130 = arith.constant 32 : i32
    %dma_wait3A_131 = arith.constant 0 : i32
    %dma_wait3A_132 = tpu.memref_slice %arg7[%dma_wait3A_130, %dma_wait3A_131] : memref<128x512xf32, #tpu.memory_space<vmem>> -> memref<16x512xf32, #tpu.memory_space<vmem>>
    %dma_wait3A_133 = arith.constant 0 : i32
    %dma_wait3A_134 = arith.constant 0 : i32
    %dma_wait3A_135 = tpu.memref_slice %arg4[%dma_wait3A_133, %dma_wait3A_134] : memref<8192x512xf32, #tpu.memory_space<hbm>> -> memref<8192x512xf32, #tpu.memory_space<hbm>>
    tpu.wait_indirect_dma semaphore(%arg9 : memref<!tpu.dma_semaphore, #tpu.memory_space<semaphore_mem>>) src(%dma_wait3A_132 : memref<16x512xf32, #tpu.memory_space<vmem>>) dst(%dma_wait3A_135 : memref<8192x512xf32, #tpu.memory_space<hbm>>)
    %dma_wait3A_136 = arith.constant 48 : i32
    %dma_wait3A_137 = arith.constant 0 : i32
    %dma_wait3A_138 = tpu.memref_slice %arg7[%dma_wait3A_136, %dma_wait3A_137] : memref<128x512xf32, #tpu.memory_space<vmem>> -> memref<16x512xf32, #tpu.memory_space<vmem>>
    %dma_wait3A_139 = arith.constant 0 : i32
    %dma_wait3A_140 = arith.constant 0 : i32
    %dma_wait3A_141 = tpu.memref_slice %arg4[%dma_wait3A_139, %dma_wait3A_140] : memref<8192x512xf32, #tpu.memory_space<hbm>> -> memref<8192x512xf32, #tpu.memory_space<hbm>>
    tpu.wait_indirect_dma semaphore(%arg9 : memref<!tpu.dma_semaphore, #tpu.memory_space<semaphore_mem>>) src(%dma_wait3A_138 : memref<16x512xf32, #tpu.memory_space<vmem>>) dst(%dma_wait3A_141 : memref<8192x512xf32, #tpu.memory_space<hbm>>)
    %dma_wait3A_142 = arith.constant 64 : i32
    %dma_wait3A_143 = arith.constant 0 : i32
    %dma_wait3A_144 = tpu.memref_slice %arg7[%dma_wait3A_142, %dma_wait3A_143] : memref<128x512xf32, #tpu.memory_space<vmem>> -> memref<16x512xf32, #tpu.memory_space<vmem>>
    %dma_wait3A_145 = arith.constant 0 : i32
    %dma_wait3A_146 = arith.constant 0 : i32
    %dma_wait3A_147 = tpu.memref_slice %arg4[%dma_wait3A_145, %dma_wait3A_146] : memref<8192x512xf32, #tpu.memory_space<hbm>> -> memref<8192x512xf32, #tpu.memory_space<hbm>>
    tpu.wait_indirect_dma semaphore(%arg9 : memref<!tpu.dma_semaphore, #tpu.memory_space<semaphore_mem>>) src(%dma_wait3A_144 : memref<16x512xf32, #tpu.memory_space<vmem>>) dst(%dma_wait3A_147 : memref<8192x512xf32, #tpu.memory_space<hbm>>)
    %dma_wait3A_148 = arith.constant 80 : i32
    %dma_wait3A_149 = arith.constant 0 : i32
    %dma_wait3A_150 = tpu.memref_slice %arg7[%dma_wait3A_148, %dma_wait3A_149] : memref<128x512xf32, #tpu.memory_space<vmem>> -> memref<16x512xf32, #tpu.memory_space<vmem>>
    %dma_wait3A_151 = arith.constant 0 : i32
    %dma_wait3A_152 = arith.constant 0 : i32
    %dma_wait3A_153 = tpu.memref_slice %arg4[%dma_wait3A_151, %dma_wait3A_152] : memref<8192x512xf32, #tpu.memory_space<hbm>> -> memref<8192x512xf32, #tpu.memory_space<hbm>>
    tpu.wait_indirect_dma semaphore(%arg9 : memref<!tpu.dma_semaphore, #tpu.memory_space<semaphore_mem>>) src(%dma_wait3A_150 : memref<16x512xf32, #tpu.memory_space<vmem>>) dst(%dma_wait3A_153 : memref<8192x512xf32, #tpu.memory_space<hbm>>)
    %dma_wait3A_154 = arith.constant 96 : i32
    %dma_wait3A_155 = arith.constant 0 : i32
    %dma_wait3A_156 = tpu.memref_slice %arg7[%dma_wait3A_154, %dma_wait3A_155] : memref<128x512xf32, #tpu.memory_space<vmem>> -> memref<16x512xf32, #tpu.memory_space<vmem>>
    %dma_wait3A_157 = arith.constant 0 : i32
    %dma_wait3A_158 = arith.constant 0 : i32
    %dma_wait3A_159 = tpu.memref_slice %arg4[%dma_wait3A_157, %dma_wait3A_158] : memref<8192x512xf32, #tpu.memory_space<hbm>> -> memref<8192x512xf32, #tpu.memory_space<hbm>>
    tpu.wait_indirect_dma semaphore(%arg9 : memref<!tpu.dma_semaphore, #tpu.memory_space<semaphore_mem>>) src(%dma_wait3A_156 : memref<16x512xf32, #tpu.memory_space<vmem>>) dst(%dma_wait3A_159 : memref<8192x512xf32, #tpu.memory_space<hbm>>)
    %dma_wait3A_160 = arith.constant 112 : i32
    %dma_wait3A_161 = arith.constant 0 : i32
    %dma_wait3A_162 = tpu.memref_slice %arg7[%dma_wait3A_160, %dma_wait3A_161] : memref<128x512xf32, #tpu.memory_space<vmem>> -> memref<16x512xf32, #tpu.memory_space<vmem>>
    %dma_wait3A_163 = arith.constant 0 : i32
    %dma_wait3A_164 = arith.constant 0 : i32
    %dma_wait3A_165 = tpu.memref_slice %arg4[%dma_wait3A_163, %dma_wait3A_164] : memref<8192x512xf32, #tpu.memory_space<hbm>> -> memref<8192x512xf32, #tpu.memory_space<hbm>>
    tpu.wait_indirect_dma semaphore(%arg9 : memref<!tpu.dma_semaphore, #tpu.memory_space<semaphore_mem>>) src(%dma_wait3A_162 : memref<16x512xf32, #tpu.memory_space<vmem>>) dst(%dma_wait3A_165 : memref<8192x512xf32, #tpu.memory_space<hbm>>)
    return
  }
}

#map = affine_map<(d0, d1) -> (0, 0)>
module attributes {stable_mosaic.version = 14 : i64} {
  func.func @k(%arg0: i32, %arg1: i32, %arg2: memref<8192x512xf32, #tpu.memory_space<hbm>>, %arg3: memref<64x128xi32, #tpu.memory_space<hbm>>, %arg4: memref<4096x512xf32, #tpu.memory_space<hbm>>, %arg5: memref<64x128xi32, #tpu.memory_space<vmem>>, %arg6: memref<4112xi32, #tpu.memory_space<vmem>>, %arg7: memref<128x512xf32, #tpu.memory_space<vmem>>, %arg8: memref<!tpu.dma_semaphore, #tpu.memory_space<semaphore_mem>>) attributes {dimension_semantics = [#tpu.dimension_semantics<core_parallel>, #tpu.dimension_semantics<subcore_parallel>], iteration_bounds = array<i64: 2, 16>, scalar_prefetch = 0 : i64, scratch_operands = 4 : i64, tpu.core_type = #tpu.core_type<sc_vector_subcore>, window_params = [{transform_indices = #map}, {transform_indices = #map}, {transform_indices = #map}]} {
    %mul3A = arith.constant 2 : i32
    %mul3A_0 = arith.muli %arg1, %mul3A : i32
    %add3A = arith.addi %mul3A_0, %arg0 : i32
    "tpu.region"() ({
      %run_scoped3A = tpu.sem_alloc : memref<!tpu.dma_semaphore, #tpu.memory_space<semaphore_mem>>
      tpu.enqueue_dma source(%arg3 : memref<64x128xi32, #tpu.memory_space<hbm>>) target(%arg5 : memref<64x128xi32, #tpu.memory_space<vmem>>) target_semaphore(%run_scoped3A : memref<!tpu.dma_semaphore, #tpu.memory_space<semaphore_mem>>)
      tpu.wait_dma2 semaphore(%run_scoped3A : memref<!tpu.dma_semaphore, #tpu.memory_space<semaphore_mem>>) src(%arg3 : memref<64x128xi32, #tpu.memory_space<hbm>>) dst(%arg5 : memref<64x128xi32, #tpu.memory_space<vmem>>)
      tpu.yield
    }) : () -> ()
    %iota3A = tpu.iota {dimensions = array<i32: 0>} : vector<16xi32>
    %scan3A = arith.constant 0 : i32
    %scan3A_1 = arith.constant 0 : i32
    %scan3A_2 = arith.constant 64 : i32
    %scan3A_3 = arith.addi %scan3A_1, %scan3A_2 : i32
    %scan3A_4 = arith.constant 1 : i32
    scf.for %scan3A_158 = %scan3A_1 to %scan3A_3 step %scan3A_4  : i32 {
      %get3A = arith.index_cast %scan3A_158 : i32 to index
      %get3A_159 = arith.constant 0 : index
      %get3A_160 = tpu.vector_load %arg5[%get3A, %get3A_159] {strides = array<i32>} : memref<64x128xi32, #tpu.memory_space<vmem>>, vector<16xi32>,
      %mul3A_161 = arith.constant 128 : i32
      %mul3A_162 = arith.muli %scan3A_158, %mul3A_161 : i32
      %add3A_163 = arith.constant 0 : i32
      %add3A_164 = arith.addi %mul3A_162, %add3A_163 : i32
      %add3A_165 = vector.broadcast %add3A_164 : i32 to vector<16xi32>
      %add3A_166 = arith.addi %iota3A, %add3A_165 : vector<16xi32>
      tpu.vector_store_idx %arg6[%get3A_160], %add3A_166 : memref<4112xi32, #tpu.memory_space<vmem>>[vector<16xi32>], vector<16xi32>,
      %get3A_167 = arith.index_cast %scan3A_158 : i32 to index
      %get3A_168 = arith.constant 16 : index
      %get3A_169 = tpu.vector_load %arg5[%get3A_167, %get3A_168] {strides = array<i32>} : memref<64x128xi32, #tpu.memory_space<vmem>>, vector<16xi32>,
      %mul3A_170 = arith.constant 128 : i32
      %mul3A_171 = arith.muli %scan3A_158, %mul3A_170 : i32
      %add3A_172 = arith.constant 16 : i32
      %add3A_173 = arith.addi %mul3A_171, %add3A_172 : i32
      %add3A_174 = vector.broadcast %add3A_173 : i32 to vector<16xi32>
      %add3A_175 = arith.addi %iota3A, %add3A_174 : vector<16xi32>
      tpu.vector_store_idx %arg6[%get3A_169], %add3A_175 : memref<4112xi32, #tpu.memory_space<vmem>>[vector<16xi32>], vector<16xi32>,
      %get3A_176 = arith.index_cast %scan3A_158 : i32 to index
      %get3A_177 = arith.constant 32 : index
      %get3A_178 = tpu.vector_load %arg5[%get3A_176, %get3A_177] {strides = array<i32>} : memref<64x128xi32, #tpu.memory_space<vmem>>, vector<16xi32>,
      %mul3A_179 = arith.constant 128 : i32
      %mul3A_180 = arith.muli %scan3A_158, %mul3A_179 : i32
      %add3A_181 = arith.constant 32 : i32
      %add3A_182 = arith.addi %mul3A_180, %add3A_181 : i32
      %add3A_183 = vector.broadcast %add3A_182 : i32 to vector<16xi32>
      %add3A_184 = arith.addi %iota3A, %add3A_183 : vector<16xi32>
      tpu.vector_store_idx %arg6[%get3A_178], %add3A_184 : memref<4112xi32, #tpu.memory_space<vmem>>[vector<16xi32>], vector<16xi32>,
      %get3A_185 = arith.index_cast %scan3A_158 : i32 to index
      %get3A_186 = arith.constant 48 : index
      %get3A_187 = tpu.vector_load %arg5[%get3A_185, %get3A_186] {strides = array<i32>} : memref<64x128xi32, #tpu.memory_space<vmem>>, vector<16xi32>,
      %mul3A_188 = arith.constant 128 : i32
      %mul3A_189 = arith.muli %scan3A_158, %mul3A_188 : i32
      %add3A_190 = arith.constant 48 : i32
      %add3A_191 = arith.addi %mul3A_189, %add3A_190 : i32
      %add3A_192 = vector.broadcast %add3A_191 : i32 to vector<16xi32>
      %add3A_193 = arith.addi %iota3A, %add3A_192 : vector<16xi32>
      tpu.vector_store_idx %arg6[%get3A_187], %add3A_193 : memref<4112xi32, #tpu.memory_space<vmem>>[vector<16xi32>], vector<16xi32>,
      %get3A_194 = arith.index_cast %scan3A_158 : i32 to index
      %get3A_195 = arith.constant 64 : index
      %get3A_196 = tpu.vector_load %arg5[%get3A_194, %get3A_195] {strides = array<i32>} : memref<64x128xi32, #tpu.memory_space<vmem>>, vector<16xi32>,
      %mul3A_197 = arith.constant 128 : i32
      %mul3A_198 = arith.muli %scan3A_158, %mul3A_197 : i32
      %add3A_199 = arith.constant 64 : i32
      %add3A_200 = arith.addi %mul3A_198, %add3A_199 : i32
      %add3A_201 = vector.broadcast %add3A_200 : i32 to vector<16xi32>
      %add3A_202 = arith.addi %iota3A, %add3A_201 : vector<16xi32>
      tpu.vector_store_idx %arg6[%get3A_196], %add3A_202 : memref<4112xi32, #tpu.memory_space<vmem>>[vector<16xi32>], vector<16xi32>,
      %get3A_203 = arith.index_cast %scan3A_158 : i32 to index
      %get3A_204 = arith.constant 80 : index
      %get3A_205 = tpu.vector_load %arg5[%get3A_203, %get3A_204] {strides = array<i32>} : memref<64x128xi32, #tpu.memory_space<vmem>>, vector<16xi32>,
      %mul3A_206 = arith.constant 128 : i32
      %mul3A_207 = arith.muli %scan3A_158, %mul3A_206 : i32
      %add3A_208 = arith.constant 80 : i32
      %add3A_209 = arith.addi %mul3A_207, %add3A_208 : i32
      %add3A_210 = vector.broadcast %add3A_209 : i32 to vector<16xi32>
      %add3A_211 = arith.addi %iota3A, %add3A_210 : vector<16xi32>
      tpu.vector_store_idx %arg6[%get3A_205], %add3A_211 : memref<4112xi32, #tpu.memory_space<vmem>>[vector<16xi32>], vector<16xi32>,
      %get3A_212 = arith.index_cast %scan3A_158 : i32 to index
      %get3A_213 = arith.constant 96 : index
      %get3A_214 = tpu.vector_load %arg5[%get3A_212, %get3A_213] {strides = array<i32>} : memref<64x128xi32, #tpu.memory_space<vmem>>, vector<16xi32>,
      %mul3A_215 = arith.constant 128 : i32
      %mul3A_216 = arith.muli %scan3A_158, %mul3A_215 : i32
      %add3A_217 = arith.constant 96 : i32
      %add3A_218 = arith.addi %mul3A_216, %add3A_217 : i32
      %add3A_219 = vector.broadcast %add3A_218 : i32 to vector<16xi32>
      %add3A_220 = arith.addi %iota3A, %add3A_219 : vector<16xi32>
      tpu.vector_store_idx %arg6[%get3A_214], %add3A_220 : memref<4112xi32, #tpu.memory_space<vmem>>[vector<16xi32>], vector<16xi32>,
      %get3A_221 = arith.index_cast %scan3A_158 : i32 to index
      %get3A_222 = arith.constant 112 : index
      %get3A_223 = tpu.vector_load %arg5[%get3A_221, %get3A_222] {strides = array<i32>} : memref<64x128xi32, #tpu.memory_space<vmem>>, vector<16xi32>,
      %mul3A_224 = arith.constant 128 : i32
      %mul3A_225 = arith.muli %scan3A_158, %mul3A_224 : i32
      %add3A_226 = arith.constant 112 : i32
      %add3A_227 = arith.addi %mul3A_225, %add3A_226 : i32
      %add3A_228 = vector.broadcast %add3A_227 : i32 to vector<16xi32>
      %add3A_229 = arith.addi %iota3A, %add3A_228 : vector<16xi32>
      tpu.vector_store_idx %arg6[%get3A_223], %add3A_229 : memref<4112xi32, #tpu.memory_space<vmem>>[vector<16xi32>], vector<16xi32>,
    }
    %scan3A_5 = arith.constant 64 : i32
    %iota3A_6 = tpu.iota {dimensions = array<i32: 0>} : vector<16xi32>
    %mul3A_7 = arith.constant 128 : i32
    %mul3A_8 = arith.muli %add3A, %mul3A_7 : i32
    %add3A_9 = arith.constant 0 : i32
    %add3A_10 = arith.addi %mul3A_8, %add3A_9 : i32
    %add3A_11 = vector.broadcast %add3A_10 : i32 to vector<16xi32>
    %add3A_12 = arith.addi %iota3A_6, %add3A_11 : vector<16xi32>
    %gather3A = tpu.vector_load_idx %arg6[%add3A_12] : memref<4112xi32, #tpu.memory_space<vmem>>[vector<16xi32>], vector<16xi32>,
    %dma_start3A = arith.constant 0 : i32
    %dma_start3A_13 = arith.constant 0 : i32
    %dma_start3A_14 = tpu.memref_slice %arg7[%dma_start3A, %dma_start3A_13] : memref<128x512xf32, #tpu.memory_space<vmem>> -> memref<16x512xf32, #tpu.memory_space<vmem>>
    %dma_start3A_15 = arith.constant 0 : i32
    %dma_start3A_16 = arith.constant 0 : i32
    %dma_start3A_17 = tpu.memref_slice %arg2[%dma_start3A_15, %dma_start3A_16] : memref<8192x512xf32, #tpu.memory_space<hbm>> -> memref<8192x512xf32, #tpu.memory_space<hbm>>
    tpu.enqueue_indirect_dma source(%dma_start3A_17 : memref<8192x512xf32, #tpu.memory_space<hbm>>) target(%dma_start3A_14 : memref<16x512xf32, #tpu.memory_space<vmem>>) offsets(%gather3A : vector<16xi32>) semaphore(%arg8 : memref<!tpu.dma_semaphore, #tpu.memory_space<semaphore_mem>>)
    %mul3A_18 = arith.constant 128 : i32
    %mul3A_19 = arith.muli %add3A, %mul3A_18 : i32
    %add3A_20 = arith.constant 16 : i32
    %add3A_21 = arith.addi %mul3A_19, %add3A_20 : i32
    %add3A_22 = vector.broadcast %add3A_21 : i32 to vector<16xi32>
    %add3A_23 = arith.addi %iota3A_6, %add3A_22 : vector<16xi32>
    %gather3A_24 = tpu.vector_load_idx %arg6[%add3A_23] : memref<4112xi32, #tpu.memory_space<vmem>>[vector<16xi32>], vector<16xi32>,
    %dma_start3A_25 = arith.constant 16 : i32
    %dma_start3A_26 = arith.constant 0 : i32
    %dma_start3A_27 = tpu.memref_slice %arg7[%dma_start3A_25, %dma_start3A_26] : memref<128x512xf32, #tpu.memory_space<vmem>> -> memref<16x512xf32, #tpu.memory_space<vmem>>
    %dma_start3A_28 = arith.constant 0 : i32
    %dma_start3A_29 = arith.constant 0 : i32
    %dma_start3A_30 = tpu.memref_slice %arg2[%dma_start3A_28, %dma_start3A_29] : memref<8192x512xf32, #tpu.memory_space<hbm>> -> memref<8192x512xf32, #tpu.memory_space<hbm>>
    tpu.enqueue_indirect_dma source(%dma_start3A_30 : memref<8192x512xf32, #tpu.memory_space<hbm>>) target(%dma_start3A_27 : memref<16x512xf32, #tpu.memory_space<vmem>>) offsets(%gather3A_24 : vector<16xi32>) semaphore(%arg8 : memref<!tpu.dma_semaphore, #tpu.memory_space<semaphore_mem>>)
    %mul3A_31 = arith.constant 128 : i32
    %mul3A_32 = arith.muli %add3A, %mul3A_31 : i32
    %add3A_33 = arith.constant 32 : i32
    %add3A_34 = arith.addi %mul3A_32, %add3A_33 : i32
    %add3A_35 = vector.broadcast %add3A_34 : i32 to vector<16xi32>
    %add3A_36 = arith.addi %iota3A_6, %add3A_35 : vector<16xi32>
    %gather3A_37 = tpu.vector_load_idx %arg6[%add3A_36] : memref<4112xi32, #tpu.memory_space<vmem>>[vector<16xi32>], vector<16xi32>,
    %dma_start3A_38 = arith.constant 32 : i32
    %dma_start3A_39 = arith.constant 0 : i32
    %dma_start3A_40 = tpu.memref_slice %arg7[%dma_start3A_38, %dma_start3A_39] : memref<128x512xf32, #tpu.memory_space<vmem>> -> memref<16x512xf32, #tpu.memory_space<vmem>>
    %dma_start3A_41 = arith.constant 0 : i32
    %dma_start3A_42 = arith.constant 0 : i32
    %dma_start3A_43 = tpu.memref_slice %arg2[%dma_start3A_41, %dma_start3A_42] : memref<8192x512xf32, #tpu.memory_space<hbm>> -> memref<8192x512xf32, #tpu.memory_space<hbm>>
    tpu.enqueue_indirect_dma source(%dma_start3A_43 : memref<8192x512xf32, #tpu.memory_space<hbm>>) target(%dma_start3A_40 : memref<16x512xf32, #tpu.memory_space<vmem>>) offsets(%gather3A_37 : vector<16xi32>) semaphore(%arg8 : memref<!tpu.dma_semaphore, #tpu.memory_space<semaphore_mem>>)
    %mul3A_44 = arith.constant 128 : i32
    %mul3A_45 = arith.muli %add3A, %mul3A_44 : i32
    %add3A_46 = arith.constant 48 : i32
    %add3A_47 = arith.addi %mul3A_45, %add3A_46 : i32
    %add3A_48 = vector.broadcast %add3A_47 : i32 to vector<16xi32>
    %add3A_49 = arith.addi %iota3A_6, %add3A_48 : vector<16xi32>
    %gather3A_50 = tpu.vector_load_idx %arg6[%add3A_49] : memref<4112xi32, #tpu.memory_space<vmem>>[vector<16xi32>], vector<16xi32>,
    %dma_start3A_51 = arith.constant 48 : i32
    %dma_start3A_52 = arith.constant 0 : i32
    %dma_start3A_53 = tpu.memref_slice %arg7[%dma_start3A_51, %dma_start3A_52] : memref<128x512xf32, #tpu.memory_space<vmem>> -> memref<16x512xf32, #tpu.memory_space<vmem>>
    %dma_start3A_54 = arith.constant 0 : i32
    %dma_start3A_55 = arith.constant 0 : i32
    %dma_start3A_56 = tpu.memref_slice %arg2[%dma_start3A_54, %dma_start3A_55] : memref<8192x512xf32, #tpu.memory_space<hbm>> -> memref<8192x512xf32, #tpu.memory_space<hbm>>
    tpu.enqueue_indirect_dma source(%dma_start3A_56 : memref<8192x512xf32, #tpu.memory_space<hbm>>) target(%dma_start3A_53 : memref<16x512xf32, #tpu.memory_space<vmem>>) offsets(%gather3A_50 : vector<16xi32>) semaphore(%arg8 : memref<!tpu.dma_semaphore, #tpu.memory_space<semaphore_mem>>)
    %mul3A_57 = arith.constant 128 : i32
    %mul3A_58 = arith.muli %add3A, %mul3A_57 : i32
    %add3A_59 = arith.constant 64 : i32
    %add3A_60 = arith.addi %mul3A_58, %add3A_59 : i32
    %add3A_61 = vector.broadcast %add3A_60 : i32 to vector<16xi32>
    %add3A_62 = arith.addi %iota3A_6, %add3A_61 : vector<16xi32>
    %gather3A_63 = tpu.vector_load_idx %arg6[%add3A_62] : memref<4112xi32, #tpu.memory_space<vmem>>[vector<16xi32>], vector<16xi32>,
    %dma_start3A_64 = arith.constant 64 : i32
    %dma_start3A_65 = arith.constant 0 : i32
    %dma_start3A_66 = tpu.memref_slice %arg7[%dma_start3A_64, %dma_start3A_65] : memref<128x512xf32, #tpu.memory_space<vmem>> -> memref<16x512xf32, #tpu.memory_space<vmem>>
    %dma_start3A_67 = arith.constant 0 : i32
    %dma_start3A_68 = arith.constant 0 : i32
    %dma_start3A_69 = tpu.memref_slice %arg2[%dma_start3A_67, %dma_start3A_68] : memref<8192x512xf32, #tpu.memory_space<hbm>> -> memref<8192x512xf32, #tpu.memory_space<hbm>>
    tpu.enqueue_indirect_dma source(%dma_start3A_69 : memref<8192x512xf32, #tpu.memory_space<hbm>>) target(%dma_start3A_66 : memref<16x512xf32, #tpu.memory_space<vmem>>) offsets(%gather3A_63 : vector<16xi32>) semaphore(%arg8 : memref<!tpu.dma_semaphore, #tpu.memory_space<semaphore_mem>>)
    %mul3A_70 = arith.constant 128 : i32
    %mul3A_71 = arith.muli %add3A, %mul3A_70 : i32
    %add3A_72 = arith.constant 80 : i32
    %add3A_73 = arith.addi %mul3A_71, %add3A_72 : i32
    %add3A_74 = vector.broadcast %add3A_73 : i32 to vector<16xi32>
    %add3A_75 = arith.addi %iota3A_6, %add3A_74 : vector<16xi32>
    %gather3A_76 = tpu.vector_load_idx %arg6[%add3A_75] : memref<4112xi32, #tpu.memory_space<vmem>>[vector<16xi32>], vector<16xi32>,
    %dma_start3A_77 = arith.constant 80 : i32
    %dma_start3A_78 = arith.constant 0 : i32
    %dma_start3A_79 = tpu.memref_slice %arg7[%dma_start3A_77, %dma_start3A_78] : memref<128x512xf32, #tpu.memory_space<vmem>> -> memref<16x512xf32, #tpu.memory_space<vmem>>
    %dma_start3A_80 = arith.constant 0 : i32
    %dma_start3A_81 = arith.constant 0 : i32
    %dma_start3A_82 = tpu.memref_slice %arg2[%dma_start3A_80, %dma_start3A_81] : memref<8192x512xf32, #tpu.memory_space<hbm>> -> memref<8192x512xf32, #tpu.memory_space<hbm>>
    tpu.enqueue_indirect_dma source(%dma_start3A_82 : memref<8192x512xf32, #tpu.memory_space<hbm>>) target(%dma_start3A_79 : memref<16x512xf32, #tpu.memory_space<vmem>>) offsets(%gather3A_76 : vector<16xi32>) semaphore(%arg8 : memref<!tpu.dma_semaphore, #tpu.memory_space<semaphore_mem>>)
    %mul3A_83 = arith.constant 128 : i32
    %mul3A_84 = arith.muli %add3A, %mul3A_83 : i32
    %add3A_85 = arith.constant 96 : i32
    %add3A_86 = arith.addi %mul3A_84, %add3A_85 : i32
    %add3A_87 = vector.broadcast %add3A_86 : i32 to vector<16xi32>
    %add3A_88 = arith.addi %iota3A_6, %add3A_87 : vector<16xi32>
    %gather3A_89 = tpu.vector_load_idx %arg6[%add3A_88] : memref<4112xi32, #tpu.memory_space<vmem>>[vector<16xi32>], vector<16xi32>,
    %dma_start3A_90 = arith.constant 96 : i32
    %dma_start3A_91 = arith.constant 0 : i32
    %dma_start3A_92 = tpu.memref_slice %arg7[%dma_start3A_90, %dma_start3A_91] : memref<128x512xf32, #tpu.memory_space<vmem>> -> memref<16x512xf32, #tpu.memory_space<vmem>>
    %dma_start3A_93 = arith.constant 0 : i32
    %dma_start3A_94 = arith.constant 0 : i32
    %dma_start3A_95 = tpu.memref_slice %arg2[%dma_start3A_93, %dma_start3A_94] : memref<8192x512xf32, #tpu.memory_space<hbm>> -> memref<8192x512xf32, #tpu.memory_space<hbm>>
    tpu.enqueue_indirect_dma source(%dma_start3A_95 : memref<8192x512xf32, #tpu.memory_space<hbm>>) target(%dma_start3A_92 : memref<16x512xf32, #tpu.memory_space<vmem>>) offsets(%gather3A_89 : vector<16xi32>) semaphore(%arg8 : memref<!tpu.dma_semaphore, #tpu.memory_space<semaphore_mem>>)
    %mul3A_96 = arith.constant 128 : i32
    %mul3A_97 = arith.muli %add3A, %mul3A_96 : i32
    %add3A_98 = arith.constant 112 : i32
    %add3A_99 = arith.addi %mul3A_97, %add3A_98 : i32
    %add3A_100 = vector.broadcast %add3A_99 : i32 to vector<16xi32>
    %add3A_101 = arith.addi %iota3A_6, %add3A_100 : vector<16xi32>
    %gather3A_102 = tpu.vector_load_idx %arg6[%add3A_101] : memref<4112xi32, #tpu.memory_space<vmem>>[vector<16xi32>], vector<16xi32>,
    %dma_start3A_103 = arith.constant 112 : i32
    %dma_start3A_104 = arith.constant 0 : i32
    %dma_start3A_105 = tpu.memref_slice %arg7[%dma_start3A_103, %dma_start3A_104] : memref<128x512xf32, #tpu.memory_space<vmem>> -> memref<16x512xf32, #tpu.memory_space<vmem>>
    %dma_start3A_106 = arith.constant 0 : i32
    %dma_start3A_107 = arith.constant 0 : i32
    %dma_start3A_108 = tpu.memref_slice %arg2[%dma_start3A_106, %dma_start3A_107] : memref<8192x512xf32, #tpu.memory_space<hbm>> -> memref<8192x512xf32, #tpu.memory_space<hbm>>
    tpu.enqueue_indirect_dma source(%dma_start3A_108 : memref<8192x512xf32, #tpu.memory_space<hbm>>) target(%dma_start3A_105 : memref<16x512xf32, #tpu.memory_space<vmem>>) offsets(%gather3A_102 : vector<16xi32>) semaphore(%arg8 : memref<!tpu.dma_semaphore, #tpu.memory_space<semaphore_mem>>)
    %dma_wait3A = arith.constant 0 : i32
    %dma_wait3A_109 = arith.constant 0 : i32
    %dma_wait3A_110 = tpu.memref_slice %arg7[%dma_wait3A, %dma_wait3A_109] : memref<128x512xf32, #tpu.memory_space<vmem>> -> memref<16x512xf32, #tpu.memory_space<vmem>>
    %dma_wait3A_111 = arith.constant 0 : i32
    %dma_wait3A_112 = arith.constant 0 : i32
    %dma_wait3A_113 = tpu.memref_slice %arg2[%dma_wait3A_111, %dma_wait3A_112] : memref<8192x512xf32, #tpu.memory_space<hbm>> -> memref<8192x512xf32, #tpu.memory_space<hbm>>
    tpu.wait_indirect_dma semaphore(%arg8 : memref<!tpu.dma_semaphore, #tpu.memory_space<semaphore_mem>>) src(%dma_wait3A_113 : memref<8192x512xf32, #tpu.memory_space<hbm>>) dst(%dma_wait3A_110 : memref<16x512xf32, #tpu.memory_space<vmem>>)
    %dma_wait3A_114 = arith.constant 16 : i32
    %dma_wait3A_115 = arith.constant 0 : i32
    %dma_wait3A_116 = tpu.memref_slice %arg7[%dma_wait3A_114, %dma_wait3A_115] : memref<128x512xf32, #tpu.memory_space<vmem>> -> memref<16x512xf32, #tpu.memory_space<vmem>>
    %dma_wait3A_117 = arith.constant 0 : i32
    %dma_wait3A_118 = arith.constant 0 : i32
    %dma_wait3A_119 = tpu.memref_slice %arg2[%dma_wait3A_117, %dma_wait3A_118] : memref<8192x512xf32, #tpu.memory_space<hbm>> -> memref<8192x512xf32, #tpu.memory_space<hbm>>
    tpu.wait_indirect_dma semaphore(%arg8 : memref<!tpu.dma_semaphore, #tpu.memory_space<semaphore_mem>>) src(%dma_wait3A_119 : memref<8192x512xf32, #tpu.memory_space<hbm>>) dst(%dma_wait3A_116 : memref<16x512xf32, #tpu.memory_space<vmem>>)
    %dma_wait3A_120 = arith.constant 32 : i32
    %dma_wait3A_121 = arith.constant 0 : i32
    %dma_wait3A_122 = tpu.memref_slice %arg7[%dma_wait3A_120, %dma_wait3A_121] : memref<128x512xf32, #tpu.memory_space<vmem>> -> memref<16x512xf32, #tpu.memory_space<vmem>>
    %dma_wait3A_123 = arith.constant 0 : i32
    %dma_wait3A_124 = arith.constant 0 : i32
    %dma_wait3A_125 = tpu.memref_slice %arg2[%dma_wait3A_123, %dma_wait3A_124] : memref<8192x512xf32, #tpu.memory_space<hbm>> -> memref<8192x512xf32, #tpu.memory_space<hbm>>
    tpu.wait_indirect_dma semaphore(%arg8 : memref<!tpu.dma_semaphore, #tpu.memory_space<semaphore_mem>>) src(%dma_wait3A_125 : memref<8192x512xf32, #tpu.memory_space<hbm>>) dst(%dma_wait3A_122 : memref<16x512xf32, #tpu.memory_space<vmem>>)
    %dma_wait3A_126 = arith.constant 48 : i32
    %dma_wait3A_127 = arith.constant 0 : i32
    %dma_wait3A_128 = tpu.memref_slice %arg7[%dma_wait3A_126, %dma_wait3A_127] : memref<128x512xf32, #tpu.memory_space<vmem>> -> memref<16x512xf32, #tpu.memory_space<vmem>>
    %dma_wait3A_129 = arith.constant 0 : i32
    %dma_wait3A_130 = arith.constant 0 : i32
    %dma_wait3A_131 = tpu.memref_slice %arg2[%dma_wait3A_129, %dma_wait3A_130] : memref<8192x512xf32, #tpu.memory_space<hbm>> -> memref<8192x512xf32, #tpu.memory_space<hbm>>
    tpu.wait_indirect_dma semaphore(%arg8 : memref<!tpu.dma_semaphore, #tpu.memory_space<semaphore_mem>>) src(%dma_wait3A_131 : memref<8192x512xf32, #tpu.memory_space<hbm>>) dst(%dma_wait3A_128 : memref<16x512xf32, #tpu.memory_space<vmem>>)
    %dma_wait3A_132 = arith.constant 64 : i32
    %dma_wait3A_133 = arith.constant 0 : i32
    %dma_wait3A_134 = tpu.memref_slice %arg7[%dma_wait3A_132, %dma_wait3A_133] : memref<128x512xf32, #tpu.memory_space<vmem>> -> memref<16x512xf32, #tpu.memory_space<vmem>>
    %dma_wait3A_135 = arith.constant 0 : i32
    %dma_wait3A_136 = arith.constant 0 : i32
    %dma_wait3A_137 = tpu.memref_slice %arg2[%dma_wait3A_135, %dma_wait3A_136] : memref<8192x512xf32, #tpu.memory_space<hbm>> -> memref<8192x512xf32, #tpu.memory_space<hbm>>
    tpu.wait_indirect_dma semaphore(%arg8 : memref<!tpu.dma_semaphore, #tpu.memory_space<semaphore_mem>>) src(%dma_wait3A_137 : memref<8192x512xf32, #tpu.memory_space<hbm>>) dst(%dma_wait3A_134 : memref<16x512xf32, #tpu.memory_space<vmem>>)
    %dma_wait3A_138 = arith.constant 80 : i32
    %dma_wait3A_139 = arith.constant 0 : i32
    %dma_wait3A_140 = tpu.memref_slice %arg7[%dma_wait3A_138, %dma_wait3A_139] : memref<128x512xf32, #tpu.memory_space<vmem>> -> memref<16x512xf32, #tpu.memory_space<vmem>>
    %dma_wait3A_141 = arith.constant 0 : i32
    %dma_wait3A_142 = arith.constant 0 : i32
    %dma_wait3A_143 = tpu.memref_slice %arg2[%dma_wait3A_141, %dma_wait3A_142] : memref<8192x512xf32, #tpu.memory_space<hbm>> -> memref<8192x512xf32, #tpu.memory_space<hbm>>
    tpu.wait_indirect_dma semaphore(%arg8 : memref<!tpu.dma_semaphore, #tpu.memory_space<semaphore_mem>>) src(%dma_wait3A_143 : memref<8192x512xf32, #tpu.memory_space<hbm>>) dst(%dma_wait3A_140 : memref<16x512xf32, #tpu.memory_space<vmem>>)
    %dma_wait3A_144 = arith.constant 96 : i32
    %dma_wait3A_145 = arith.constant 0 : i32
    %dma_wait3A_146 = tpu.memref_slice %arg7[%dma_wait3A_144, %dma_wait3A_145] : memref<128x512xf32, #tpu.memory_space<vmem>> -> memref<16x512xf32, #tpu.memory_space<vmem>>
    %dma_wait3A_147 = arith.constant 0 : i32
    %dma_wait3A_148 = arith.constant 0 : i32
    %dma_wait3A_149 = tpu.memref_slice %arg2[%dma_wait3A_147, %dma_wait3A_148] : memref<8192x512xf32, #tpu.memory_space<hbm>> -> memref<8192x512xf32, #tpu.memory_space<hbm>>
    tpu.wait_indirect_dma semaphore(%arg8 : memref<!tpu.dma_semaphore, #tpu.memory_space<semaphore_mem>>) src(%dma_wait3A_149 : memref<8192x512xf32, #tpu.memory_space<hbm>>) dst(%dma_wait3A_146 : memref<16x512xf32, #tpu.memory_space<vmem>>)
    %dma_wait3A_150 = arith.constant 112 : i32
    %dma_wait3A_151 = arith.constant 0 : i32
    %dma_wait3A_152 = tpu.memref_slice %arg7[%dma_wait3A_150, %dma_wait3A_151] : memref<128x512xf32, #tpu.memory_space<vmem>> -> memref<16x512xf32, #tpu.memory_space<vmem>>
    %dma_wait3A_153 = arith.constant 0 : i32
    %dma_wait3A_154 = arith.constant 0 : i32
    %dma_wait3A_155 = tpu.memref_slice %arg2[%dma_wait3A_153, %dma_wait3A_154] : memref<8192x512xf32, #tpu.memory_space<hbm>> -> memref<8192x512xf32, #tpu.memory_space<hbm>>
    tpu.wait_indirect_dma semaphore(%arg8 : memref<!tpu.dma_semaphore, #tpu.memory_space<semaphore_mem>>) src(%dma_wait3A_155 : memref<8192x512xf32, #tpu.memory_space<hbm>>) dst(%dma_wait3A_152 : memref<16x512xf32, #tpu.memory_space<vmem>>)
    %mul3A_156 = arith.constant 128 : i32
    %mul3A_157 = arith.muli %add3A, %mul3A_156 : i32
    "tpu.region"() ({
      %run_scoped3A = tpu.sem_alloc : memref<!tpu.dma_semaphore, #tpu.memory_space<semaphore_mem>>
      %dma_start3A_158 = arith.constant 0 : i32
      %dma_start3A_159 = tpu.memref_slice %arg4[%mul3A_157, %dma_start3A_158] : memref<4096x512xf32, #tpu.memory_space<hbm>> -> memref<128x512xf32, #tpu.memory_space<hbm>>
      %dma_start3A_160 = arith.constant 0 : i32
      %dma_start3A_161 = tpu.memref_slice %arg4[%mul3A_157, %dma_start3A_160] : memref<4096x512xf32, #tpu.memory_space<hbm>> -> memref<128x512xf32, #tpu.memory_space<hbm>>
      tpu.enqueue_dma source(%arg7 : memref<128x512xf32, #tpu.memory_space<vmem>>) target(%dma_start3A_161 : memref<128x512xf32, #tpu.memory_space<hbm>>) target_semaphore(%run_scoped3A : memref<!tpu.dma_semaphore, #tpu.memory_space<semaphore_mem>>)
      %dma_wait3A_162 = arith.constant 0 : i32
      %dma_wait3A_163 = tpu.memref_slice %arg4[%mul3A_157, %dma_wait3A_162] : memref<4096x512xf32, #tpu.memory_space<hbm>> -> memref<128x512xf32, #tpu.memory_space<hbm>>
      %dma_wait3A_164 = arith.constant 0 : i32
      %dma_wait3A_165 = tpu.memref_slice %arg4[%mul3A_157, %dma_wait3A_164] : memref<4096x512xf32, #tpu.memory_space<hbm>> -> memref<128x512xf32, #tpu.memory_space<hbm>>
      tpu.wait_dma2 semaphore(%run_scoped3A : memref<!tpu.dma_semaphore, #tpu.memory_space<semaphore_mem>>) src(%arg7 : memref<128x512xf32, #tpu.memory_space<vmem>>) dst(%dma_wait3A_165 : memref<128x512xf32, #tpu.memory_space<hbm>>)
      tpu.yield
    }) : () -> ()
    return
  }
}

module attributes {stable_mosaic.version = 14 : i64} {
  func.func @_scan_body(%arg0: i32, %arg1: memref<64x16x512xf32, #tpu.memory_space<vmem>>, %arg2: memref<512x1536xbf16, #tpu.memory_space<vmem>>, %arg3: memref<1x1536xf32, #tpu.memory_space<vmem>>, %arg4: memref<512x1536xbf16, #tpu.memory_space<vmem>>, %arg5: memref<1x1536xf32, #tpu.memory_space<vmem>>, %arg6: memref<64x16x512xf32, #tpu.memory_space<vmem>>, %arg7: memref<1024x1536xbf16, #tpu.memory_space<vmem>>, %arg8: memref<16x512xf32, #tpu.memory_space<vmem>>) attributes {dimension_semantics = [#tpu.dimension_semantics<arbitrary>], iteration_bounds = array<i64: 8>, scalar_prefetch = 0 : i64, scratch_operands = 2 : i64, tpu.core_type = #tpu.core_type<tc>, window_params = [{transform_indices = @transform_0, window_bounds = array<i64: 64, 16, 512>}, {pipeline_mode = #tpu.pipeline_mode<synchronous>, transform_indices = @transform_1, window_bounds = array<i64: 512, 1536>}, {pipeline_mode = #tpu.pipeline_mode<synchronous>, transform_indices = @transform_2, window_bounds = array<i64: 1, 1536>}, {pipeline_mode = #tpu.pipeline_mode<synchronous>, transform_indices = @transform_3, window_bounds = array<i64: 512, 1536>}, {pipeline_mode = #tpu.pipeline_mode<synchronous>, transform_indices = @transform_4, window_bounds = array<i64: 1, 1536>}, {transform_indices = @transform_5, window_bounds = array<i64: 64, 16, 512>}]} {
    %eq3A = arith.constant 0 : i32
    %eq3A_0 = arith.cmpi eq, %arg0, %eq3A : i32
    %convert_element_type3A = arith.extui %eq3A_0 : i1 to i32
    %cond3A = arith.constant 0 : i32
    %cond3A_1 = arith.cmpi ne, %convert_element_type3A, %cond3A : i32
    scf.if %cond3A_1 {
      %broadcast_in_dim3A = arith.constant 0.000000e+00 : f32
      %broadcast_in_dim3A_34 = vector.broadcast %broadcast_in_dim3A : f32 to vector<16x512xf32>
      %swap3A_35 = arith.constant 0 : index
      %swap3A_36 = arith.constant 0 : index
      %swap3A_37 = vector.load %arg8[%swap3A_35, %swap3A_36] : memref<16x512xf32, #tpu.memory_space<vmem>>, vector<16x512xf32>
      tpu.vector_store %arg8[%swap3A_35, %swap3A_36], %broadcast_in_dim3A_34 {strides = array<i32>} : memref<16x512xf32, #tpu.memory_space<vmem>>, vector<16x512xf32>,
    } else {
    }
    %get3A = arith.constant 0 : index
    %get3A_2 = arith.constant 0 : index
    %get3A_3 = arith.constant 0 : index
    %get3A_4 = vector.load %arg1[%get3A, %get3A_2, %get3A_3] : memref<64x16x512xf32, #tpu.memory_space<vmem>>, vector<64x16x512xf32>
    %reshape3A = vector.shape_cast %get3A_4 : vector<64x16x512xf32> to vector<1024x512xf32>
    %convert_element_type3A_5 = arith.truncf %reshape3A : vector<1024x512xf32> to vector<1024x512xbf16>
    %get3A_6 = arith.constant 0 : index
    %get3A_7 = arith.constant 0 : index
    %get3A_8 = vector.load %arg2[%get3A_6, %get3A_7] : memref<512x1536xbf16, #tpu.memory_space<vmem>>, vector<512x1536xbf16>
    %dot_general3A = arith.constant dense<0.000000e+00> : vector<1024x1536xf32>
    %dot_general3A_9 = tpu.matmul %convert_element_type3A_5, %get3A_8, %dot_general3A {dimension_numbers = #tpu.dot_dimension_numbers<[1], [0], [0], [1], [0, 0, 1, 1], [], []>, transpose_lhs_hint = false} : vector<1024x512xbf16>, vector<512x1536xbf16>, vector<1024x1536xf32> -> vector<1024x1536xf32>
    %get3A_10 = arith.constant 0 : index
    %get3A_11 = arith.constant 0 : index
    %get3A_12 = vector.load %arg3[%get3A_10, %get3A_11] : memref<1x1536xf32, #tpu.memory_space<vmem>>, vector<1x1536xf32>
    %add3A = vector.broadcast %get3A_12 : vector<1x1536xf32> to vector<1024x1536xf32>
    %add3A_13 = arith.addf %dot_general3A_9, %add3A : vector<1024x1536xf32>
    %convert_element_type3A_14 = arith.truncf %add3A_13 : vector<1024x1536xf32> to vector<1024x1536xbf16>
    %swap3A = arith.constant 0 : index
    %swap3A_15 = arith.constant 0 : index
    %swap3A_16 = vector.load %arg7[%swap3A, %swap3A_15] : memref<1024x1536xbf16, #tpu.memory_space<vmem>>, vector<1024x1536xbf16>
    tpu.vector_store %arg7[%swap3A, %swap3A_15], %convert_element_type3A_14 {strides = array<i32>} : memref<1024x1536xbf16, #tpu.memory_space<vmem>>, vector<1024x1536xbf16>,
    %get3A_17 = arith.constant 0 : index
    %get3A_18 = arith.constant 0 : index
    %get3A_19 = vector.load %arg4[%get3A_17, %get3A_18] : memref<512x1536xbf16, #tpu.memory_space<vmem>>, vector<512x1536xbf16>
    %get3A_20 = arith.constant 0 : index
    %get3A_21 = arith.constant 0 : index
    %get3A_22 = vector.load %arg5[%get3A_20, %get3A_21] : memref<1x1536xf32, #tpu.memory_space<vmem>>, vector<1x1536xf32>
    %get3A_23 = arith.constant 0 : index
    %get3A_24 = arith.constant 0 : index
    %get3A_25 = vector.load %arg8[%get3A_23, %get3A_24] : memref<16x512xf32, #tpu.memory_space<vmem>>, vector<16x512xf32>
    %scan3A = arith.constant 0 : i32
    %scan3A_26 = arith.constant 64 : i32
    %scan3A_27 = arith.addi %scan3A, %scan3A_26 : i32
    %scan3A_28 = arith.constant 16 : i32
    %scan3A_29 = scf.for %scan3A_34 = %scan3A to %scan3A_27 step %scan3A_28 iter_args(%scan3A_35 = %get3A_25) -> (vector<16x512xf32>)  : i32 {
      %mul3A = arith.constant 16 : i32
      %mul3A_36 = arith.muli %scan3A_34, %mul3A : i32
      %get3A_37 = arith.index_cast %mul3A_36 : i32 to index
      %get3A_38 = arith.constant 0 : index
      %get3A_39 = vector.load %arg7[%get3A_37, %get3A_38] : memref<1024x1536xbf16, #tpu.memory_space<vmem>>, vector<16x1536xbf16>
      %convert_element_type3A_40 = arith.truncf %scan3A_35 : vector<16x512xf32> to vector<16x512xbf16>
      %dot_general3A_41 = arith.constant dense<0.000000e+00> : vector<16x1536xf32>
      %dot_general3A_42 = tpu.matmul %convert_element_type3A_40, %get3A_19, %dot_general3A_41 {dimension_numbers = #tpu.dot_dimension_numbers<[1], [0], [0], [1], [0, 0, 1, 1], [], []>, transpose_lhs_hint = false} : vector<16x512xbf16>, vector<512x1536xbf16>, vector<16x1536xf32> -> vector<16x1536xf32>
      %add3A_43 = vector.broadcast %get3A_22 : vector<1x1536xf32> to vector<16x1536xf32>
      %add3A_44 = arith.addf %dot_general3A_42, %add3A_43 : vector<16x1536xf32>
      %slice3A = vector.extract_strided_slice %get3A_39 {offsets = [0, 0], sizes = [16, 512], strides = [1, 1]} : vector<16x1536xbf16> to vector<16x512xbf16>
      %slice3A_45 = vector.extract_strided_slice %add3A_44 {offsets = [0, 0], sizes = [16, 512], strides = [1, 1]} : vector<16x1536xf32> to vector<16x512xf32>
      %convert_element_type3A_46 = arith.extf %slice3A : vector<16x512xbf16> to vector<16x512xf32>
      %add3A_47 = arith.addf %convert_element_type3A_46, %slice3A_45 : vector<16x512xf32>
      %logistic3A = arith.negf %add3A_47 : vector<16x512xf32>
      %logistic3A_48 = math.exp %logistic3A : vector<16x512xf32>
      %logistic3A_49 = arith.constant 1.000000e+00 : f32
      %logistic3A_50 = vector.broadcast %logistic3A_49 : f32 to vector<16x512xf32>
      %logistic3A_51 = arith.addf %logistic3A_50, %logistic3A_48 : vector<16x512xf32>
      %logistic3A_52 = arith.divf %logistic3A_50, %logistic3A_51 : vector<16x512xf32>
      %slice3A_53 = vector.extract_strided_slice %get3A_39 {offsets = [0, 512], sizes = [16, 512], strides = [1, 1]} : vector<16x1536xbf16> to vector<16x512xbf16>
      %slice3A_54 = vector.extract_strided_slice %add3A_44 {offsets = [0, 512], sizes = [16, 512], strides = [1, 1]} : vector<16x1536xf32> to vector<16x512xf32>
      %convert_element_type3A_55 = arith.extf %slice3A_53 : vector<16x512xbf16> to vector<16x512xf32>
      %add3A_56 = arith.addf %convert_element_type3A_55, %slice3A_54 : vector<16x512xf32>
      %logistic3A_57 = arith.negf %add3A_56 : vector<16x512xf32>
      %logistic3A_58 = math.exp %logistic3A_57 : vector<16x512xf32>
      %logistic3A_59 = arith.constant 1.000000e+00 : f32
      %logistic3A_60 = vector.broadcast %logistic3A_59 : f32 to vector<16x512xf32>
      %logistic3A_61 = arith.addf %logistic3A_60, %logistic3A_58 : vector<16x512xf32>
      %logistic3A_62 = arith.divf %logistic3A_60, %logistic3A_61 : vector<16x512xf32>
      %slice3A_63 = vector.extract_strided_slice %get3A_39 {offsets = [0, 1024], sizes = [16, 512], strides = [1, 1]} : vector<16x1536xbf16> to vector<16x512xbf16>
      %slice3A_64 = vector.extract_strided_slice %add3A_44 {offsets = [0, 1024], sizes = [16, 512], strides = [1, 1]} : vector<16x1536xf32> to vector<16x512xf32>
      %mul3A_65 = arith.mulf %logistic3A_52, %slice3A_64 : vector<16x512xf32>
      %convert_element_type3A_66 = arith.extf %slice3A_63 : vector<16x512xbf16> to vector<16x512xf32>
      %add3A_67 = arith.addf %convert_element_type3A_66, %mul3A_65 : vector<16x512xf32>
      %tanh3A = math.tanh %add3A_67 : vector<16x512xf32>
      %sub3A = arith.subf %scan3A_35, %tanh3A : vector<16x512xf32>
      %mul3A_68 = arith.mulf %logistic3A_62, %sub3A : vector<16x512xf32>
      %add3A_69 = arith.addf %tanh3A, %mul3A_68 : vector<16x512xf32>
      %swap3A_70 = arith.index_cast %scan3A_34 : i32 to index
      %swap3A_71 = arith.constant 0 : index
      %swap3A_72 = arith.constant 0 : index
      %swap3A_73 = vector.load %arg6[%swap3A_70, %swap3A_71, %swap3A_72] : memref<64x16x512xf32, #tpu.memory_space<vmem>>, vector<1x16x512xf32>
      %swap3A_74 = vector.shape_cast %swap3A_73 : vector<1x16x512xf32> to vector<16x512xf32>
      %swap3A_75 = vector.shape_cast %add3A_69 : vector<16x512xf32> to vector<1x16x512xf32>
      tpu.vector_store %arg6[%swap3A_70, %swap3A_71, %swap3A_72], %swap3A_75 {strides = array<i32>} : memref<64x16x512xf32, #tpu.memory_space<vmem>>, vector<1x16x512xf32>,
      %scan3A_76 = arith.constant 1 : i32
      %scan3A_77 = arith.addi %scan3A_34, %scan3A_76 : i32
      %mul3A_78 = arith.constant 16 : i32
      %mul3A_79 = arith.muli %scan3A_77, %mul3A_78 : i32
      %get3A_80 = arith.index_cast %mul3A_79 : i32 to index
      %get3A_81 = arith.constant 0 : index
      %get3A_82 = vector.load %arg7[%get3A_80, %get3A_81] : memref<1024x1536xbf16, #tpu.memory_space<vmem>>, vector<16x1536xbf16>
      %convert_element_type3A_83 = arith.truncf %add3A_69 : vector<16x512xf32> to vector<16x512xbf16>
      %dot_general3A_84 = arith.constant dense<0.000000e+00> : vector<16x1536xf32>
      %dot_general3A_85 = tpu.matmul %convert_element_type3A_83, %get3A_19, %dot_general3A_84 {dimension_numbers = #tpu.dot_dimension_numbers<[1], [0], [0], [1], [0, 0, 1, 1], [], []>, transpose_lhs_hint = false} : vector<16x512xbf16>, vector<512x1536xbf16>, vector<16x1536xf32> -> vector<16x1536xf32>
      %add3A_86 = vector.broadcast %get3A_22 : vector<1x1536xf32> to vector<16x1536xf32>
      %add3A_87 = arith.addf %dot_general3A_85, %add3A_86 : vector<16x1536xf32>
      %slice3A_88 = vector.extract_strided_slice %get3A_82 {offsets = [0, 0], sizes = [16, 512], strides = [1, 1]} : vector<16x1536xbf16> to vector<16x512xbf16>
      %slice3A_89 = vector.extract_strided_slice %add3A_87 {offsets = [0, 0], sizes = [16, 512], strides = [1, 1]} : vector<16x1536xf32> to vector<16x512xf32>
      %convert_element_type3A_90 = arith.extf %slice3A_88 : vector<16x512xbf16> to vector<16x512xf32>
      %add3A_91 = arith.addf %convert_element_type3A_90, %slice3A_89 : vector<16x512xf32>
      %logistic3A_92 = arith.negf %add3A_91 : vector<16x512xf32>
      %logistic3A_93 = math.exp %logistic3A_92 : vector<16x512xf32>
      %logistic3A_94 = arith.constant 1.000000e+00 : f32
      %logistic3A_95 = vector.broadcast %logistic3A_94 : f32 to vector<16x512xf32>
      %logistic3A_96 = arith.addf %logistic3A_95, %logistic3A_93 : vector<16x512xf32>
      %logistic3A_97 = arith.divf %logistic3A_95, %logistic3A_96 : vector<16x512xf32>
      %slice3A_98 = vector.extract_strided_slice %get3A_82 {offsets = [0, 512], sizes = [16, 512], strides = [1, 1]} : vector<16x1536xbf16> to vector<16x512xbf16>
      %slice3A_99 = vector.extract_strided_slice %add3A_87 {offsets = [0, 512], sizes = [16, 512], strides = [1, 1]} : vector<16x1536xf32> to vector<16x512xf32>
      %convert_element_type3A_100 = arith.extf %slice3A_98 : vector<16x512xbf16> to vector<16x512xf32>
      %add3A_101 = arith.addf %convert_element_type3A_100, %slice3A_99 : vector<16x512xf32>
      %logistic3A_102 = arith.negf %add3A_101 : vector<16x512xf32>
      %logistic3A_103 = math.exp %logistic3A_102 : vector<16x512xf32>
      %logistic3A_104 = arith.constant 1.000000e+00 : f32
      %logistic3A_105 = vector.broadcast %logistic3A_104 : f32 to vector<16x512xf32>
      %logistic3A_106 = arith.addf %logistic3A_105, %logistic3A_103 : vector<16x512xf32>
      %logistic3A_107 = arith.divf %logistic3A_105, %logistic3A_106 : vector<16x512xf32>
      %slice3A_108 = vector.extract_strided_slice %get3A_82 {offsets = [0, 1024], sizes = [16, 512], strides = [1, 1]} : vector<16x1536xbf16> to vector<16x512xbf16>
      %slice3A_109 = vector.extract_strided_slice %add3A_87 {offsets = [0, 1024], sizes = [16, 512], strides = [1, 1]} : vector<16x1536xf32> to vector<16x512xf32>
      %mul3A_110 = arith.mulf %logistic3A_97, %slice3A_109 : vector<16x512xf32>
      %convert_element_type3A_111 = arith.extf %slice3A_108 : vector<16x512xbf16> to vector<16x512xf32>
      %add3A_112 = arith.addf %convert_element_type3A_111, %mul3A_110 : vector<16x512xf32>
      %tanh3A_113 = math.tanh %add3A_112 : vector<16x512xf32>
      %sub3A_114 = arith.subf %add3A_69, %tanh3A_113 : vector<16x512xf32>
      %mul3A_115 = arith.mulf %logistic3A_107, %sub3A_114 : vector<16x512xf32>
      %add3A_116 = arith.addf %tanh3A_113, %mul3A_115 : vector<16x512xf32>
      %swap3A_117 = arith.index_cast %scan3A_77 : i32 to index
      %swap3A_118 = arith.constant 0 : index
      %swap3A_119 = arith.constant 0 : index
      %swap3A_120 = vector.load %arg6[%swap3A_117, %swap3A_118, %swap3A_119] : memref<64x16x512xf32, #tpu.memory_space<vmem>>, vector<1x16x512xf32>
      %swap3A_121 = vector.shape_cast %swap3A_120 : vector<1x16x512xf32> to vector<16x512xf32>
      %swap3A_122 = vector.shape_cast %add3A_116 : vector<16x512xf32> to vector<1x16x512xf32>
      tpu.vector_store %arg6[%swap3A_117, %swap3A_118, %swap3A_119], %swap3A_122 {strides = array<i32>} : memref<64x16x512xf32, #tpu.memory_space<vmem>>, vector<1x16x512xf32>,
      %scan3A_123 = arith.constant 2 : i32
      %scan3A_124 = arith.addi %scan3A_34, %scan3A_123 : i32
      %mul3A_125 = arith.constant 16 : i32
      %mul3A_126 = arith.muli %scan3A_124, %mul3A_125 : i32
      %get3A_127 = arith.index_cast %mul3A_126 : i32 to index
      %get3A_128 = arith.constant 0 : index
      %get3A_129 = vector.load %arg7[%get3A_127, %get3A_128] : memref<1024x1536xbf16, #tpu.memory_space<vmem>>, vector<16x1536xbf16>
      %convert_element_type3A_130 = arith.truncf %add3A_116 : vector<16x512xf32> to vector<16x512xbf16>
      %dot_general3A_131 = arith.constant dense<0.000000e+00> : vector<16x1536xf32>
      %dot_general3A_132 = tpu.matmul %convert_element_type3A_130, %get3A_19, %dot_general3A_131 {dimension_numbers = #tpu.dot_dimension_numbers<[1], [0], [0], [1], [0, 0, 1, 1], [], []>, transpose_lhs_hint = false} : vector<16x512xbf16>, vector<512x1536xbf16>, vector<16x1536xf32> -> vector<16x1536xf32>
      %add3A_133 = vector.broadcast %get3A_22 : vector<1x1536xf32> to vector<16x1536xf32>
      %add3A_134 = arith.addf %dot_general3A_132, %add3A_133 : vector<16x1536xf32>
      %slice3A_135 = vector.extract_strided_slice %get3A_129 {offsets = [0, 0], sizes = [16, 512], strides = [1, 1]} : vector<16x1536xbf16> to vector<16x512xbf16>
      %slice3A_136 = vector.extract_strided_slice %add3A_134 {offsets = [0, 0], sizes = [16, 512], strides = [1, 1]} : vector<16x1536xf32> to vector<16x512xf32>
      %convert_element_type3A_137 = arith.extf %slice3A_135 : vector<16x512xbf16> to vector<16x512xf32>
      %add3A_138 = arith.addf %convert_element_type3A_137, %slice3A_136 : vector<16x512xf32>
      %logistic3A_139 = arith.negf %add3A_138 : vector<16x512xf32>
      %logistic3A_140 = math.exp %logistic3A_139 : vector<16x512xf32>
      %logistic3A_141 = arith.constant 1.000000e+00 : f32
      %logistic3A_142 = vector.broadcast %logistic3A_141 : f32 to vector<16x512xf32>
      %logistic3A_143 = arith.addf %logistic3A_142, %logistic3A_140 : vector<16x512xf32>
      %logistic3A_144 = arith.divf %logistic3A_142, %logistic3A_143 : vector<16x512xf32>
      %slice3A_145 = vector.extract_strided_slice %get3A_129 {offsets = [0, 512], sizes = [16, 512], strides = [1, 1]} : vector<16x1536xbf16> to vector<16x512xbf16>
      %slice3A_146 = vector.extract_strided_slice %add3A_134 {offsets = [0, 512], sizes = [16, 512], strides = [1, 1]} : vector<16x1536xf32> to vector<16x512xf32>
      %convert_element_type3A_147 = arith.extf %slice3A_145 : vector<16x512xbf16> to vector<16x512xf32>
      %add3A_148 = arith.addf %convert_element_type3A_147, %slice3A_146 : vector<16x512xf32>
      %logistic3A_149 = arith.negf %add3A_148 : vector<16x512xf32>
      %logistic3A_150 = math.exp %logistic3A_149 : vector<16x512xf32>
      %logistic3A_151 = arith.constant 1.000000e+00 : f32
      %logistic3A_152 = vector.broadcast %logistic3A_151 : f32 to vector<16x512xf32>
      %logistic3A_153 = arith.addf %logistic3A_152, %logistic3A_150 : vector<16x512xf32>
      %logistic3A_154 = arith.divf %logistic3A_152, %logistic3A_153 : vector<16x512xf32>
      %slice3A_155 = vector.extract_strided_slice %get3A_129 {offsets = [0, 1024], sizes = [16, 512], strides = [1, 1]} : vector<16x1536xbf16> to vector<16x512xbf16>
      %slice3A_156 = vector.extract_strided_slice %add3A_134 {offsets = [0, 1024], sizes = [16, 512], strides = [1, 1]} : vector<16x1536xf32> to vector<16x512xf32>
      %mul3A_157 = arith.mulf %logistic3A_144, %slice3A_156 : vector<16x512xf32>
      %convert_element_type3A_158 = arith.extf %slice3A_155 : vector<16x512xbf16> to vector<16x512xf32>
      %add3A_159 = arith.addf %convert_element_type3A_158, %mul3A_157 : vector<16x512xf32>
      %tanh3A_160 = math.tanh %add3A_159 : vector<16x512xf32>
      %sub3A_161 = arith.subf %add3A_116, %tanh3A_160 : vector<16x512xf32>
      %mul3A_162 = arith.mulf %logistic3A_154, %sub3A_161 : vector<16x512xf32>
      %add3A_163 = arith.addf %tanh3A_160, %mul3A_162 : vector<16x512xf32>
      %swap3A_164 = arith.index_cast %scan3A_124 : i32 to index
      %swap3A_165 = arith.constant 0 : index
      %swap3A_166 = arith.constant 0 : index
      %swap3A_167 = vector.load %arg6[%swap3A_164, %swap3A_165, %swap3A_166] : memref<64x16x512xf32, #tpu.memory_space<vmem>>, vector<1x16x512xf32>
      %swap3A_168 = vector.shape_cast %swap3A_167 : vector<1x16x512xf32> to vector<16x512xf32>
      %swap3A_169 = vector.shape_cast %add3A_163 : vector<16x512xf32> to vector<1x16x512xf32>
      tpu.vector_store %arg6[%swap3A_164, %swap3A_165, %swap3A_166], %swap3A_169 {strides = array<i32>} : memref<64x16x512xf32, #tpu.memory_space<vmem>>, vector<1x16x512xf32>,
      %scan3A_170 = arith.constant 3 : i32
      %scan3A_171 = arith.addi %scan3A_34, %scan3A_170 : i32
      %mul3A_172 = arith.constant 16 : i32
      %mul3A_173 = arith.muli %scan3A_171, %mul3A_172 : i32
      %get3A_174 = arith.index_cast %mul3A_173 : i32 to index
      %get3A_175 = arith.constant 0 : index
      %get3A_176 = vector.load %arg7[%get3A_174, %get3A_175] : memref<1024x1536xbf16, #tpu.memory_space<vmem>>, vector<16x1536xbf16>
      %convert_element_type3A_177 = arith.truncf %add3A_163 : vector<16x512xf32> to vector<16x512xbf16>
      %dot_general3A_178 = arith.constant dense<0.000000e+00> : vector<16x1536xf32>
      %dot_general3A_179 = tpu.matmul %convert_element_type3A_177, %get3A_19, %dot_general3A_178 {dimension_numbers = #tpu.dot_dimension_numbers<[1], [0], [0], [1], [0, 0, 1, 1], [], []>, transpose_lhs_hint = false} : vector<16x512xbf16>, vector<512x1536xbf16>, vector<16x1536xf32> -> vector<16x1536xf32>
      %add3A_180 = vector.broadcast %get3A_22 : vector<1x1536xf32> to vector<16x1536xf32>
      %add3A_181 = arith.addf %dot_general3A_179, %add3A_180 : vector<16x1536xf32>
      %slice3A_182 = vector.extract_strided_slice %get3A_176 {offsets = [0, 0], sizes = [16, 512], strides = [1, 1]} : vector<16x1536xbf16> to vector<16x512xbf16>
      %slice3A_183 = vector.extract_strided_slice %add3A_181 {offsets = [0, 0], sizes = [16, 512], strides = [1, 1]} : vector<16x1536xf32> to vector<16x512xf32>
      %convert_element_type3A_184 = arith.extf %slice3A_182 : vector<16x512xbf16> to vector<16x512xf32>
      %add3A_185 = arith.addf %convert_element_type3A_184, %slice3A_183 : vector<16x512xf32>
      %logistic3A_186 = arith.negf %add3A_185 : vector<16x512xf32>
      %logistic3A_187 = math.exp %logistic3A_186 : vector<16x512xf32>
      %logistic3A_188 = arith.constant 1.000000e+00 : f32
      %logistic3A_189 = vector.broadcast %logistic3A_188 : f32 to vector<16x512xf32>
      %logistic3A_190 = arith.addf %logistic3A_189, %logistic3A_187 : vector<16x512xf32>
      %logistic3A_191 = arith.divf %logistic3A_189, %logistic3A_190 : vector<16x512xf32>
      %slice3A_192 = vector.extract_strided_slice %get3A_176 {offsets = [0, 512], sizes = [16, 512], strides = [1, 1]} : vector<16x1536xbf16> to vector<16x512xbf16>
      %slice3A_193 = vector.extract_strided_slice %add3A_181 {offsets = [0, 512], sizes = [16, 512], strides = [1, 1]} : vector<16x1536xf32> to vector<16x512xf32>
      %convert_element_type3A_194 = arith.extf %slice3A_192 : vector<16x512xbf16> to vector<16x512xf32>
      %add3A_195 = arith.addf %convert_element_type3A_194, %slice3A_193 : vector<16x512xf32>
      %logistic3A_196 = arith.negf %add3A_195 : vector<16x512xf32>
      %logistic3A_197 = math.exp %logistic3A_196 : vector<16x512xf32>
      %logistic3A_198 = arith.constant 1.000000e+00 : f32
      %logistic3A_199 = vector.broadcast %logistic3A_198 : f32 to vector<16x512xf32>
      %logistic3A_200 = arith.addf %logistic3A_199, %logistic3A_197 : vector<16x512xf32>
      %logistic3A_201 = arith.divf %logistic3A_199, %logistic3A_200 : vector<16x512xf32>
      %slice3A_202 = vector.extract_strided_slice %get3A_176 {offsets = [0, 1024], sizes = [16, 512], strides = [1, 1]} : vector<16x1536xbf16> to vector<16x512xbf16>
      %slice3A_203 = vector.extract_strided_slice %add3A_181 {offsets = [0, 1024], sizes = [16, 512], strides = [1, 1]} : vector<16x1536xf32> to vector<16x512xf32>
      %mul3A_204 = arith.mulf %logistic3A_191, %slice3A_203 : vector<16x512xf32>
      %convert_element_type3A_205 = arith.extf %slice3A_202 : vector<16x512xbf16> to vector<16x512xf32>
      %add3A_206 = arith.addf %convert_element_type3A_205, %mul3A_204 : vector<16x512xf32>
      %tanh3A_207 = math.tanh %add3A_206 : vector<16x512xf32>
      %sub3A_208 = arith.subf %add3A_163, %tanh3A_207 : vector<16x512xf32>
      %mul3A_209 = arith.mulf %logistic3A_201, %sub3A_208 : vector<16x512xf32>
      %add3A_210 = arith.addf %tanh3A_207, %mul3A_209 : vector<16x512xf32>
      %swap3A_211 = arith.index_cast %scan3A_171 : i32 to index
      %swap3A_212 = arith.constant 0 : index
      %swap3A_213 = arith.constant 0 : index
      %swap3A_214 = vector.load %arg6[%swap3A_211, %swap3A_212, %swap3A_213] : memref<64x16x512xf32, #tpu.memory_space<vmem>>, vector<1x16x512xf32>
      %swap3A_215 = vector.shape_cast %swap3A_214 : vector<1x16x512xf32> to vector<16x512xf32>
      %swap3A_216 = vector.shape_cast %add3A_210 : vector<16x512xf32> to vector<1x16x512xf32>
      tpu.vector_store %arg6[%swap3A_211, %swap3A_212, %swap3A_213], %swap3A_216 {strides = array<i32>} : memref<64x16x512xf32, #tpu.memory_space<vmem>>, vector<1x16x512xf32>,
      %scan3A_217 = arith.constant 4 : i32
      %scan3A_218 = arith.addi %scan3A_34, %scan3A_217 : i32
      %mul3A_219 = arith.constant 16 : i32
      %mul3A_220 = arith.muli %scan3A_218, %mul3A_219 : i32
      %get3A_221 = arith.index_cast %mul3A_220 : i32 to index
      %get3A_222 = arith.constant 0 : index
      %get3A_223 = vector.load %arg7[%get3A_221, %get3A_222] : memref<1024x1536xbf16, #tpu.memory_space<vmem>>, vector<16x1536xbf16>
      %convert_element_type3A_224 = arith.truncf %add3A_210 : vector<16x512xf32> to vector<16x512xbf16>
      %dot_general3A_225 = arith.constant dense<0.000000e+00> : vector<16x1536xf32>
      %dot_general3A_226 = tpu.matmul %convert_element_type3A_224, %get3A_19, %dot_general3A_225 {dimension_numbers = #tpu.dot_dimension_numbers<[1], [0], [0], [1], [0, 0, 1, 1], [], []>, transpose_lhs_hint = false} : vector<16x512xbf16>, vector<512x1536xbf16>, vector<16x1536xf32> -> vector<16x1536xf32>
      %add3A_227 = vector.broadcast %get3A_22 : vector<1x1536xf32> to vector<16x1536xf32>
      %add3A_228 = arith.addf %dot_general3A_226, %add3A_227 : vector<16x1536xf32>
      %slice3A_229 = vector.extract_strided_slice %get3A_223 {offsets = [0, 0], sizes = [16, 512], strides = [1, 1]} : vector<16x1536xbf16> to vector<16x512xbf16>
      %slice3A_230 = vector.extract_strided_slice %add3A_228 {offsets = [0, 0], sizes = [16, 512], strides = [1, 1]} : vector<16x1536xf32> to vector<16x512xf32>
      %convert_element_type3A_231 = arith.extf %slice3A_229 : vector<16x512xbf16> to vector<16x512xf32>
      %add3A_232 = arith.addf %convert_element_type3A_231, %slice3A_230 : vector<16x512xf32>
      %logistic3A_233 = arith.negf %add3A_232 : vector<16x512xf32>
      %logistic3A_234 = math.exp %logistic3A_233 : vector<16x512xf32>
      %logistic3A_235 = arith.constant 1.000000e+00 : f32
      %logistic3A_236 = vector.broadcast %logistic3A_235 : f32 to vector<16x512xf32>
      %logistic3A_237 = arith.addf %logistic3A_236, %logistic3A_234 : vector<16x512xf32>
      %logistic3A_238 = arith.divf %logistic3A_236, %logistic3A_237 : vector<16x512xf32>
      %slice3A_239 = vector.extract_strided_slice %get3A_223 {offsets = [0, 512], sizes = [16, 512], strides = [1, 1]} : vector<16x1536xbf16> to vector<16x512xbf16>
      %slice3A_240 = vector.extract_strided_slice %add3A_228 {offsets = [0, 512], sizes = [16, 512], strides = [1, 1]} : vector<16x1536xf32> to vector<16x512xf32>
      %convert_element_type3A_241 = arith.extf %slice3A_239 : vector<16x512xbf16> to vector<16x512xf32>
      %add3A_242 = arith.addf %convert_element_type3A_241, %slice3A_240 : vector<16x512xf32>
      %logistic3A_243 = arith.negf %add3A_242 : vector<16x512xf32>
      %logistic3A_244 = math.exp %logistic3A_243 : vector<16x512xf32>
      %logistic3A_245 = arith.constant 1.000000e+00 : f32
      %logistic3A_246 = vector.broadcast %logistic3A_245 : f32 to vector<16x512xf32>
      %logistic3A_247 = arith.addf %logistic3A_246, %logistic3A_244 : vector<16x512xf32>
      %logistic3A_248 = arith.divf %logistic3A_246, %logistic3A_247 : vector<16x512xf32>
      %slice3A_249 = vector.extract_strided_slice %get3A_223 {offsets = [0, 1024], sizes = [16, 512], strides = [1, 1]} : vector<16x1536xbf16> to vector<16x512xbf16>
      %slice3A_250 = vector.extract_strided_slice %add3A_228 {offsets = [0, 1024], sizes = [16, 512], strides = [1, 1]} : vector<16x1536xf32> to vector<16x512xf32>
      %mul3A_251 = arith.mulf %logistic3A_238, %slice3A_250 : vector<16x512xf32>
      %convert_element_type3A_252 = arith.extf %slice3A_249 : vector<16x512xbf16> to vector<16x512xf32>
      %add3A_253 = arith.addf %convert_element_type3A_252, %mul3A_251 : vector<16x512xf32>
      %tanh3A_254 = math.tanh %add3A_253 : vector<16x512xf32>
      %sub3A_255 = arith.subf %add3A_210, %tanh3A_254 : vector<16x512xf32>
      %mul3A_256 = arith.mulf %logistic3A_248, %sub3A_255 : vector<16x512xf32>
      %add3A_257 = arith.addf %tanh3A_254, %mul3A_256 : vector<16x512xf32>
      %swap3A_258 = arith.index_cast %scan3A_218 : i32 to index
      %swap3A_259 = arith.constant 0 : index
      %swap3A_260 = arith.constant 0 : index
      %swap3A_261 = vector.load %arg6[%swap3A_258, %swap3A_259, %swap3A_260] : memref<64x16x512xf32, #tpu.memory_space<vmem>>, vector<1x16x512xf32>
      %swap3A_262 = vector.shape_cast %swap3A_261 : vector<1x16x512xf32> to vector<16x512xf32>
      %swap3A_263 = vector.shape_cast %add3A_257 : vector<16x512xf32> to vector<1x16x512xf32>
      tpu.vector_store %arg6[%swap3A_258, %swap3A_259, %swap3A_260], %swap3A_263 {strides = array<i32>} : memref<64x16x512xf32, #tpu.memory_space<vmem>>, vector<1x16x512xf32>,
      %scan3A_264 = arith.constant 5 : i32
      %scan3A_265 = arith.addi %scan3A_34, %scan3A_264 : i32
      %mul3A_266 = arith.constant 16 : i32
      %mul3A_267 = arith.muli %scan3A_265, %mul3A_266 : i32
      %get3A_268 = arith.index_cast %mul3A_267 : i32 to index
      %get3A_269 = arith.constant 0 : index
      %get3A_270 = vector.load %arg7[%get3A_268, %get3A_269] : memref<1024x1536xbf16, #tpu.memory_space<vmem>>, vector<16x1536xbf16>
      %convert_element_type3A_271 = arith.truncf %add3A_257 : vector<16x512xf32> to vector<16x512xbf16>
      %dot_general3A_272 = arith.constant dense<0.000000e+00> : vector<16x1536xf32>
      %dot_general3A_273 = tpu.matmul %convert_element_type3A_271, %get3A_19, %dot_general3A_272 {dimension_numbers = #tpu.dot_dimension_numbers<[1], [0], [0], [1], [0, 0, 1, 1], [], []>, transpose_lhs_hint = false} : vector<16x512xbf16>, vector<512x1536xbf16>, vector<16x1536xf32> -> vector<16x1536xf32>
      %add3A_274 = vector.broadcast %get3A_22 : vector<1x1536xf32> to vector<16x1536xf32>
      %add3A_275 = arith.addf %dot_general3A_273, %add3A_274 : vector<16x1536xf32>
      %slice3A_276 = vector.extract_strided_slice %get3A_270 {offsets = [0, 0], sizes = [16, 512], strides = [1, 1]} : vector<16x1536xbf16> to vector<16x512xbf16>
      %slice3A_277 = vector.extract_strided_slice %add3A_275 {offsets = [0, 0], sizes = [16, 512], strides = [1, 1]} : vector<16x1536xf32> to vector<16x512xf32>
      %convert_element_type3A_278 = arith.extf %slice3A_276 : vector<16x512xbf16> to vector<16x512xf32>
      %add3A_279 = arith.addf %convert_element_type3A_278, %slice3A_277 : vector<16x512xf32>
      %logistic3A_280 = arith.negf %add3A_279 : vector<16x512xf32>
      %logistic3A_281 = math.exp %logistic3A_280 : vector<16x512xf32>
      %logistic3A_282 = arith.constant 1.000000e+00 : f32
      %logistic3A_283 = vector.broadcast %logistic3A_282 : f32 to vector<16x512xf32>
      %logistic3A_284 = arith.addf %logistic3A_283, %logistic3A_281 : vector<16x512xf32>
      %logistic3A_285 = arith.divf %logistic3A_283, %logistic3A_284 : vector<16x512xf32>
      %slice3A_286 = vector.extract_strided_slice %get3A_270 {offsets = [0, 512], sizes = [16, 512], strides = [1, 1]} : vector<16x1536xbf16> to vector<16x512xbf16>
      %slice3A_287 = vector.extract_strided_slice %add3A_275 {offsets = [0, 512], sizes = [16, 512], strides = [1, 1]} : vector<16x1536xf32> to vector<16x512xf32>
      %convert_element_type3A_288 = arith.extf %slice3A_286 : vector<16x512xbf16> to vector<16x512xf32>
      %add3A_289 = arith.addf %convert_element_type3A_288, %slice3A_287 : vector<16x512xf32>
      %logistic3A_290 = arith.negf %add3A_289 : vector<16x512xf32>
      %logistic3A_291 = math.exp %logistic3A_290 : vector<16x512xf32>
      %logistic3A_292 = arith.constant 1.000000e+00 : f32
      %logistic3A_293 = vector.broadcast %logistic3A_292 : f32 to vector<16x512xf32>
      %logistic3A_294 = arith.addf %logistic3A_293, %logistic3A_291 : vector<16x512xf32>
      %logistic3A_295 = arith.divf %logistic3A_293, %logistic3A_294 : vector<16x512xf32>
      %slice3A_296 = vector.extract_strided_slice %get3A_270 {offsets = [0, 1024], sizes = [16, 512], strides = [1, 1]} : vector<16x1536xbf16> to vector<16x512xbf16>
      %slice3A_297 = vector.extract_strided_slice %add3A_275 {offsets = [0, 1024], sizes = [16, 512], strides = [1, 1]} : vector<16x1536xf32> to vector<16x512xf32>
      %mul3A_298 = arith.mulf %logistic3A_285, %slice3A_297 : vector<16x512xf32>
      %convert_element_type3A_299 = arith.extf %slice3A_296 : vector<16x512xbf16> to vector<16x512xf32>
      %add3A_300 = arith.addf %convert_element_type3A_299, %mul3A_298 : vector<16x512xf32>
      %tanh3A_301 = math.tanh %add3A_300 : vector<16x512xf32>
      %sub3A_302 = arith.subf %add3A_257, %tanh3A_301 : vector<16x512xf32>
      %mul3A_303 = arith.mulf %logistic3A_295, %sub3A_302 : vector<16x512xf32>
      %add3A_304 = arith.addf %tanh3A_301, %mul3A_303 : vector<16x512xf32>
      %swap3A_305 = arith.index_cast %scan3A_265 : i32 to index
      %swap3A_306 = arith.constant 0 : index
      %swap3A_307 = arith.constant 0 : index
      %swap3A_308 = vector.load %arg6[%swap3A_305, %swap3A_306, %swap3A_307] : memref<64x16x512xf32, #tpu.memory_space<vmem>>, vector<1x16x512xf32>
      %swap3A_309 = vector.shape_cast %swap3A_308 : vector<1x16x512xf32> to vector<16x512xf32>
      %swap3A_310 = vector.shape_cast %add3A_304 : vector<16x512xf32> to vector<1x16x512xf32>
      tpu.vector_store %arg6[%swap3A_305, %swap3A_306, %swap3A_307], %swap3A_310 {strides = array<i32>} : memref<64x16x512xf32, #tpu.memory_space<vmem>>, vector<1x16x512xf32>,
      %scan3A_311 = arith.constant 6 : i32
      %scan3A_312 = arith.addi %scan3A_34, %scan3A_311 : i32
      %mul3A_313 = arith.constant 16 : i32
      %mul3A_314 = arith.muli %scan3A_312, %mul3A_313 : i32
      %get3A_315 = arith.index_cast %mul3A_314 : i32 to index
      %get3A_316 = arith.constant 0 : index
      %get3A_317 = vector.load %arg7[%get3A_315, %get3A_316] : memref<1024x1536xbf16, #tpu.memory_space<vmem>>, vector<16x1536xbf16>
      %convert_element_type3A_318 = arith.truncf %add3A_304 : vector<16x512xf32> to vector<16x512xbf16>
      %dot_general3A_319 = arith.constant dense<0.000000e+00> : vector<16x1536xf32>
      %dot_general3A_320 = tpu.matmul %convert_element_type3A_318, %get3A_19, %dot_general3A_319 {dimension_numbers = #tpu.dot_dimension_numbers<[1], [0], [0], [1], [0, 0, 1, 1], [], []>, transpose_lhs_hint = false} : vector<16x512xbf16>, vector<512x1536xbf16>, vector<16x1536xf32> -> vector<16x1536xf32>
      %add3A_321 = vector.broadcast %get3A_22 : vector<1x1536xf32> to vector<16x1536xf32>
      %add3A_322 = arith.addf %dot_general3A_320, %add3A_321 : vector<16x1536xf32>
      %slice3A_323 = vector.extract_strided_slice %get3A_317 {offsets = [0, 0], sizes = [16, 512], strides = [1, 1]} : vector<16x1536xbf16> to vector<16x512xbf16>
      %slice3A_324 = vector.extract_strided_slice %add3A_322 {offsets = [0, 0], sizes = [16, 512], strides = [1, 1]} : vector<16x1536xf32> to vector<16x512xf32>
      %convert_element_type3A_325 = arith.extf %slice3A_323 : vector<16x512xbf16> to vector<16x512xf32>
      %add3A_326 = arith.addf %convert_element_type3A_325, %slice3A_324 : vector<16x512xf32>
      %logistic3A_327 = arith.negf %add3A_326 : vector<16x512xf32>
      %logistic3A_328 = math.exp %logistic3A_327 : vector<16x512xf32>
      %logistic3A_329 = arith.constant 1.000000e+00 : f32
      %logistic3A_330 = vector.broadcast %logistic3A_329 : f32 to vector<16x512xf32>
      %logistic3A_331 = arith.addf %logistic3A_330, %logistic3A_328 : vector<16x512xf32>
      %logistic3A_332 = arith.divf %logistic3A_330, %logistic3A_331 : vector<16x512xf32>
      %slice3A_333 = vector.extract_strided_slice %get3A_317 {offsets = [0, 512], sizes = [16, 512], strides = [1, 1]} : vector<16x1536xbf16> to vector<16x512xbf16>
      %slice3A_334 = vector.extract_strided_slice %add3A_322 {offsets = [0, 512], sizes = [16, 512], strides = [1, 1]} : vector<16x1536xf32> to vector<16x512xf32>
      %convert_element_type3A_335 = arith.extf %slice3A_333 : vector<16x512xbf16> to vector<16x512xf32>
      %add3A_336 = arith.addf %convert_element_type3A_335, %slice3A_334 : vector<16x512xf32>
      %logistic3A_337 = arith.negf %add3A_336 : vector<16x512xf32>
      %logistic3A_338 = math.exp %logistic3A_337 : vector<16x512xf32>
      %logistic3A_339 = arith.constant 1.000000e+00 : f32
      %logistic3A_340 = vector.broadcast %logistic3A_339 : f32 to vector<16x512xf32>
      %logistic3A_341 = arith.addf %logistic3A_340, %logistic3A_338 : vector<16x512xf32>
      %logistic3A_342 = arith.divf %logistic3A_340, %logistic3A_341 : vector<16x512xf32>
      %slice3A_343 = vector.extract_strided_slice %get3A_317 {offsets = [0, 1024], sizes = [16, 512], strides = [1, 1]} : vector<16x1536xbf16> to vector<16x512xbf16>
      %slice3A_344 = vector.extract_strided_slice %add3A_322 {offsets = [0, 1024], sizes = [16, 512], strides = [1, 1]} : vector<16x1536xf32> to vector<16x512xf32>
      %mul3A_345 = arith.mulf %logistic3A_332, %slice3A_344 : vector<16x512xf32>
      %convert_element_type3A_346 = arith.extf %slice3A_343 : vector<16x512xbf16> to vector<16x512xf32>
      %add3A_347 = arith.addf %convert_element_type3A_346, %mul3A_345 : vector<16x512xf32>
      %tanh3A_348 = math.tanh %add3A_347 : vector<16x512xf32>
      %sub3A_349 = arith.subf %add3A_304, %tanh3A_348 : vector<16x512xf32>
      %mul3A_350 = arith.mulf %logistic3A_342, %sub3A_349 : vector<16x512xf32>
      %add3A_351 = arith.addf %tanh3A_348, %mul3A_350 : vector<16x512xf32>
      %swap3A_352 = arith.index_cast %scan3A_312 : i32 to index
      %swap3A_353 = arith.constant 0 : index
      %swap3A_354 = arith.constant 0 : index
      %swap3A_355 = vector.load %arg6[%swap3A_352, %swap3A_353, %swap3A_354] : memref<64x16x512xf32, #tpu.memory_space<vmem>>, vector<1x16x512xf32>
      %swap3A_356 = vector.shape_cast %swap3A_355 : vector<1x16x512xf32> to vector<16x512xf32>
      %swap3A_357 = vector.shape_cast %add3A_351 : vector<16x512xf32> to vector<1x16x512xf32>
      tpu.vector_store %arg6[%swap3A_352, %swap3A_353, %swap3A_354], %swap3A_357 {strides = array<i32>} : memref<64x16x512xf32, #tpu.memory_space<vmem>>, vector<1x16x512xf32>,
      %scan3A_358 = arith.constant 7 : i32
      %scan3A_359 = arith.addi %scan3A_34, %scan3A_358 : i32
      %mul3A_360 = arith.constant 16 : i32
      %mul3A_361 = arith.muli %scan3A_359, %mul3A_360 : i32
      %get3A_362 = arith.index_cast %mul3A_361 : i32 to index
      %get3A_363 = arith.constant 0 : index
      %get3A_364 = vector.load %arg7[%get3A_362, %get3A_363] : memref<1024x1536xbf16, #tpu.memory_space<vmem>>, vector<16x1536xbf16>
      %convert_element_type3A_365 = arith.truncf %add3A_351 : vector<16x512xf32> to vector<16x512xbf16>
      %dot_general3A_366 = arith.constant dense<0.000000e+00> : vector<16x1536xf32>
      %dot_general3A_367 = tpu.matmul %convert_element_type3A_365, %get3A_19, %dot_general3A_366 {dimension_numbers = #tpu.dot_dimension_numbers<[1], [0], [0], [1], [0, 0, 1, 1], [], []>, transpose_lhs_hint = false} : vector<16x512xbf16>, vector<512x1536xbf16>, vector<16x1536xf32> -> vector<16x1536xf32>
      %add3A_368 = vector.broadcast %get3A_22 : vector<1x1536xf32> to vector<16x1536xf32>
      %add3A_369 = arith.addf %dot_general3A_367, %add3A_368 : vector<16x1536xf32>
      %slice3A_370 = vector.extract_strided_slice %get3A_364 {offsets = [0, 0], sizes = [16, 512], strides = [1, 1]} : vector<16x1536xbf16> to vector<16x512xbf16>
      %slice3A_371 = vector.extract_strided_slice %add3A_369 {offsets = [0, 0], sizes = [16, 512], strides = [1, 1]} : vector<16x1536xf32> to vector<16x512xf32>
      %convert_element_type3A_372 = arith.extf %slice3A_370 : vector<16x512xbf16> to vector<16x512xf32>
      %add3A_373 = arith.addf %convert_element_type3A_372, %slice3A_371 : vector<16x512xf32>
      %logistic3A_374 = arith.negf %add3A_373 : vector<16x512xf32>
      %logistic3A_375 = math.exp %logistic3A_374 : vector<16x512xf32>
      %logistic3A_376 = arith.constant 1.000000e+00 : f32
      %logistic3A_377 = vector.broadcast %logistic3A_376 : f32 to vector<16x512xf32>
      %logistic3A_378 = arith.addf %logistic3A_377, %logistic3A_375 : vector<16x512xf32>
      %logistic3A_379 = arith.divf %logistic3A_377, %logistic3A_378 : vector<16x512xf32>
      %slice3A_380 = vector.extract_strided_slice %get3A_364 {offsets = [0, 512], sizes = [16, 512], strides = [1, 1]} : vector<16x1536xbf16> to vector<16x512xbf16>
      %slice3A_381 = vector.extract_strided_slice %add3A_369 {offsets = [0, 512], sizes = [16, 512], strides = [1, 1]} : vector<16x1536xf32> to vector<16x512xf32>
      %convert_element_type3A_382 = arith.extf %slice3A_380 : vector<16x512xbf16> to vector<16x512xf32>
      %add3A_383 = arith.addf %convert_element_type3A_382, %slice3A_381 : vector<16x512xf32>
      %logistic3A_384 = arith.negf %add3A_383 : vector<16x512xf32>
      %logistic3A_385 = math.exp %logistic3A_384 : vector<16x512xf32>
      %logistic3A_386 = arith.constant 1.000000e+00 : f32
      %logistic3A_387 = vector.broadcast %logistic3A_386 : f32 to vector<16x512xf32>
      %logistic3A_388 = arith.addf %logistic3A_387, %logistic3A_385 : vector<16x512xf32>
      %logistic3A_389 = arith.divf %logistic3A_387, %logistic3A_388 : vector<16x512xf32>
      %slice3A_390 = vector.extract_strided_slice %get3A_364 {offsets = [0, 1024], sizes = [16, 512], strides = [1, 1]} : vector<16x1536xbf16> to vector<16x512xbf16>
      %slice3A_391 = vector.extract_strided_slice %add3A_369 {offsets = [0, 1024], sizes = [16, 512], strides = [1, 1]} : vector<16x1536xf32> to vector<16x512xf32>
      %mul3A_392 = arith.mulf %logistic3A_379, %slice3A_391 : vector<16x512xf32>
      %convert_element_type3A_393 = arith.extf %slice3A_390 : vector<16x512xbf16> to vector<16x512xf32>
      %add3A_394 = arith.addf %convert_element_type3A_393, %mul3A_392 : vector<16x512xf32>
      %tanh3A_395 = math.tanh %add3A_394 : vector<16x512xf32>
      %sub3A_396 = arith.subf %add3A_351, %tanh3A_395 : vector<16x512xf32>
      %mul3A_397 = arith.mulf %logistic3A_389, %sub3A_396 : vector<16x512xf32>
      %add3A_398 = arith.addf %tanh3A_395, %mul3A_397 : vector<16x512xf32>
      %swap3A_399 = arith.index_cast %scan3A_359 : i32 to index
      %swap3A_400 = arith.constant 0 : index
      %swap3A_401 = arith.constant 0 : index
      %swap3A_402 = vector.load %arg6[%swap3A_399, %swap3A_400, %swap3A_401] : memref<64x16x512xf32, #tpu.memory_space<vmem>>, vector<1x16x512xf32>
      %swap3A_403 = vector.shape_cast %swap3A_402 : vector<1x16x512xf32> to vector<16x512xf32>
      %swap3A_404 = vector.shape_cast %add3A_398 : vector<16x512xf32> to vector<1x16x512xf32>
      tpu.vector_store %arg6[%swap3A_399, %swap3A_400, %swap3A_401], %swap3A_404 {strides = array<i32>} : memref<64x16x512xf32, #tpu.memory_space<vmem>>, vector<1x16x512xf32>,
      %scan3A_405 = arith.constant 8 : i32
      %scan3A_406 = arith.addi %scan3A_34, %scan3A_405 : i32
      %mul3A_407 = arith.constant 16 : i32
      %mul3A_408 = arith.muli %scan3A_406, %mul3A_407 : i32
      %get3A_409 = arith.index_cast %mul3A_408 : i32 to index
      %get3A_410 = arith.constant 0 : index
      %get3A_411 = vector.load %arg7[%get3A_409, %get3A_410] : memref<1024x1536xbf16, #tpu.memory_space<vmem>>, vector<16x1536xbf16>
      %convert_element_type3A_412 = arith.truncf %add3A_398 : vector<16x512xf32> to vector<16x512xbf16>
      %dot_general3A_413 = arith.constant dense<0.000000e+00> : vector<16x1536xf32>
      %dot_general3A_414 = tpu.matmul %convert_element_type3A_412, %get3A_19, %dot_general3A_413 {dimension_numbers = #tpu.dot_dimension_numbers<[1], [0], [0], [1], [0, 0, 1, 1], [], []>, transpose_lhs_hint = false} : vector<16x512xbf16>, vector<512x1536xbf16>, vector<16x1536xf32> -> vector<16x1536xf32>
      %add3A_415 = vector.broadcast %get3A_22 : vector<1x1536xf32> to vector<16x1536xf32>
      %add3A_416 = arith.addf %dot_general3A_414, %add3A_415 : vector<16x1536xf32>
      %slice3A_417 = vector.extract_strided_slice %get3A_411 {offsets = [0, 0], sizes = [16, 512], strides = [1, 1]} : vector<16x1536xbf16> to vector<16x512xbf16>
      %slice3A_418 = vector.extract_strided_slice %add3A_416 {offsets = [0, 0], sizes = [16, 512], strides = [1, 1]} : vector<16x1536xf32> to vector<16x512xf32>
      %convert_element_type3A_419 = arith.extf %slice3A_417 : vector<16x512xbf16> to vector<16x512xf32>
      %add3A_420 = arith.addf %convert_element_type3A_419, %slice3A_418 : vector<16x512xf32>
      %logistic3A_421 = arith.negf %add3A_420 : vector<16x512xf32>
      %logistic3A_422 = math.exp %logistic3A_421 : vector<16x512xf32>
      %logistic3A_423 = arith.constant 1.000000e+00 : f32
      %logistic3A_424 = vector.broadcast %logistic3A_423 : f32 to vector<16x512xf32>
      %logistic3A_425 = arith.addf %logistic3A_424, %logistic3A_422 : vector<16x512xf32>
      %logistic3A_426 = arith.divf %logistic3A_424, %logistic3A_425 : vector<16x512xf32>
      %slice3A_427 = vector.extract_strided_slice %get3A_411 {offsets = [0, 512], sizes = [16, 512], strides = [1, 1]} : vector<16x1536xbf16> to vector<16x512xbf16>
      %slice3A_428 = vector.extract_strided_slice %add3A_416 {offsets = [0, 512], sizes = [16, 512], strides = [1, 1]} : vector<16x1536xf32> to vector<16x512xf32>
      %convert_element_type3A_429 = arith.extf %slice3A_427 : vector<16x512xbf16> to vector<16x512xf32>
      %add3A_430 = arith.addf %convert_element_type3A_429, %slice3A_428 : vector<16x512xf32>
      %logistic3A_431 = arith.negf %add3A_430 : vector<16x512xf32>
      %logistic3A_432 = math.exp %logistic3A_431 : vector<16x512xf32>
      %logistic3A_433 = arith.constant 1.000000e+00 : f32
      %logistic3A_434 = vector.broadcast %logistic3A_433 : f32 to vector<16x512xf32>
      %logistic3A_435 = arith.addf %logistic3A_434, %logistic3A_432 : vector<16x512xf32>
      %logistic3A_436 = arith.divf %logistic3A_434, %logistic3A_435 : vector<16x512xf32>
      %slice3A_437 = vector.extract_strided_slice %get3A_411 {offsets = [0, 1024], sizes = [16, 512], strides = [1, 1]} : vector<16x1536xbf16> to vector<16x512xbf16>
      %slice3A_438 = vector.extract_strided_slice %add3A_416 {offsets = [0, 1024], sizes = [16, 512], strides = [1, 1]} : vector<16x1536xf32> to vector<16x512xf32>
      %mul3A_439 = arith.mulf %logistic3A_426, %slice3A_438 : vector<16x512xf32>
      %convert_element_type3A_440 = arith.extf %slice3A_437 : vector<16x512xbf16> to vector<16x512xf32>
      %add3A_441 = arith.addf %convert_element_type3A_440, %mul3A_439 : vector<16x512xf32>
      %tanh3A_442 = math.tanh %add3A_441 : vector<16x512xf32>
      %sub3A_443 = arith.subf %add3A_398, %tanh3A_442 : vector<16x512xf32>
      %mul3A_444 = arith.mulf %logistic3A_436, %sub3A_443 : vector<16x512xf32>
      %add3A_445 = arith.addf %tanh3A_442, %mul3A_444 : vector<16x512xf32>
      %swap3A_446 = arith.index_cast %scan3A_406 : i32 to index
      %swap3A_447 = arith.constant 0 : index
      %swap3A_448 = arith.constant 0 : index
      %swap3A_449 = vector.load %arg6[%swap3A_446, %swap3A_447, %swap3A_448] : memref<64x16x512xf32, #tpu.memory_space<vmem>>, vector<1x16x512xf32>
      %swap3A_450 = vector.shape_cast %swap3A_449 : vector<1x16x512xf32> to vector<16x512xf32>
      %swap3A_451 = vector.shape_cast %add3A_445 : vector<16x512xf32> to vector<1x16x512xf32>
      tpu.vector_store %arg6[%swap3A_446, %swap3A_447, %swap3A_448], %swap3A_451 {strides = array<i32>} : memref<64x16x512xf32, #tpu.memory_space<vmem>>, vector<1x16x512xf32>,
      %scan3A_452 = arith.constant 9 : i32
      %scan3A_453 = arith.addi %scan3A_34, %scan3A_452 : i32
      %mul3A_454 = arith.constant 16 : i32
      %mul3A_455 = arith.muli %scan3A_453, %mul3A_454 : i32
      %get3A_456 = arith.index_cast %mul3A_455 : i32 to index
      %get3A_457 = arith.constant 0 : index
      %get3A_458 = vector.load %arg7[%get3A_456, %get3A_457] : memref<1024x1536xbf16, #tpu.memory_space<vmem>>, vector<16x1536xbf16>
      %convert_element_type3A_459 = arith.truncf %add3A_445 : vector<16x512xf32> to vector<16x512xbf16>
      %dot_general3A_460 = arith.constant dense<0.000000e+00> : vector<16x1536xf32>
      %dot_general3A_461 = tpu.matmul %convert_element_type3A_459, %get3A_19, %dot_general3A_460 {dimension_numbers = #tpu.dot_dimension_numbers<[1], [0], [0], [1], [0, 0, 1, 1], [], []>, transpose_lhs_hint = false} : vector<16x512xbf16>, vector<512x1536xbf16>, vector<16x1536xf32> -> vector<16x1536xf32>
      %add3A_462 = vector.broadcast %get3A_22 : vector<1x1536xf32> to vector<16x1536xf32>
      %add3A_463 = arith.addf %dot_general3A_461, %add3A_462 : vector<16x1536xf32>
      %slice3A_464 = vector.extract_strided_slice %get3A_458 {offsets = [0, 0], sizes = [16, 512], strides = [1, 1]} : vector<16x1536xbf16> to vector<16x512xbf16>
      %slice3A_465 = vector.extract_strided_slice %add3A_463 {offsets = [0, 0], sizes = [16, 512], strides = [1, 1]} : vector<16x1536xf32> to vector<16x512xf32>
      %convert_element_type3A_466 = arith.extf %slice3A_464 : vector<16x512xbf16> to vector<16x512xf32>
      %add3A_467 = arith.addf %convert_element_type3A_466, %slice3A_465 : vector<16x512xf32>
      %logistic3A_468 = arith.negf %add3A_467 : vector<16x512xf32>
      %logistic3A_469 = math.exp %logistic3A_468 : vector<16x512xf32>
      %logistic3A_470 = arith.constant 1.000000e+00 : f32
      %logistic3A_471 = vector.broadcast %logistic3A_470 : f32 to vector<16x512xf32>
      %logistic3A_472 = arith.addf %logistic3A_471, %logistic3A_469 : vector<16x512xf32>
      %logistic3A_473 = arith.divf %logistic3A_471, %logistic3A_472 : vector<16x512xf32>
      %slice3A_474 = vector.extract_strided_slice %get3A_458 {offsets = [0, 512], sizes = [16, 512], strides = [1, 1]} : vector<16x1536xbf16> to vector<16x512xbf16>
      %slice3A_475 = vector.extract_strided_slice %add3A_463 {offsets = [0, 512], sizes = [16, 512], strides = [1, 1]} : vector<16x1536xf32> to vector<16x512xf32>
      %convert_element_type3A_476 = arith.extf %slice3A_474 : vector<16x512xbf16> to vector<16x512xf32>
      %add3A_477 = arith.addf %convert_element_type3A_476, %slice3A_475 : vector<16x512xf32>
      %logistic3A_478 = arith.negf %add3A_477 : vector<16x512xf32>
      %logistic3A_479 = math.exp %logistic3A_478 : vector<16x512xf32>
      %logistic3A_480 = arith.constant 1.000000e+00 : f32
      %logistic3A_481 = vector.broadcast %logistic3A_480 : f32 to vector<16x512xf32>
      %logistic3A_482 = arith.addf %logistic3A_481, %logistic3A_479 : vector<16x512xf32>
      %logistic3A_483 = arith.divf %logistic3A_481, %logistic3A_482 : vector<16x512xf32>
      %slice3A_484 = vector.extract_strided_slice %get3A_458 {offsets = [0, 1024], sizes = [16, 512], strides = [1, 1]} : vector<16x1536xbf16> to vector<16x512xbf16>
      %slice3A_485 = vector.extract_strided_slice %add3A_463 {offsets = [0, 1024], sizes = [16, 512], strides = [1, 1]} : vector<16x1536xf32> to vector<16x512xf32>
      %mul3A_486 = arith.mulf %logistic3A_473, %slice3A_485 : vector<16x512xf32>
      %convert_element_type3A_487 = arith.extf %slice3A_484 : vector<16x512xbf16> to vector<16x512xf32>
      %add3A_488 = arith.addf %convert_element_type3A_487, %mul3A_486 : vector<16x512xf32>
      %tanh3A_489 = math.tanh %add3A_488 : vector<16x512xf32>
      %sub3A_490 = arith.subf %add3A_445, %tanh3A_489 : vector<16x512xf32>
      %mul3A_491 = arith.mulf %logistic3A_483, %sub3A_490 : vector<16x512xf32>
      %add3A_492 = arith.addf %tanh3A_489, %mul3A_491 : vector<16x512xf32>
      %swap3A_493 = arith.index_cast %scan3A_453 : i32 to index
      %swap3A_494 = arith.constant 0 : index
      %swap3A_495 = arith.constant 0 : index
      %swap3A_496 = vector.load %arg6[%swap3A_493, %swap3A_494, %swap3A_495] : memref<64x16x512xf32, #tpu.memory_space<vmem>>, vector<1x16x512xf32>
      %swap3A_497 = vector.shape_cast %swap3A_496 : vector<1x16x512xf32> to vector<16x512xf32>
      %swap3A_498 = vector.shape_cast %add3A_492 : vector<16x512xf32> to vector<1x16x512xf32>
      tpu.vector_store %arg6[%swap3A_493, %swap3A_494, %swap3A_495], %swap3A_498 {strides = array<i32>} : memref<64x16x512xf32, #tpu.memory_space<vmem>>, vector<1x16x512xf32>,
      %scan3A_499 = arith.constant 10 : i32
      %scan3A_500 = arith.addi %scan3A_34, %scan3A_499 : i32
      %mul3A_501 = arith.constant 16 : i32
      %mul3A_502 = arith.muli %scan3A_500, %mul3A_501 : i32
      %get3A_503 = arith.index_cast %mul3A_502 : i32 to index
      %get3A_504 = arith.constant 0 : index
      %get3A_505 = vector.load %arg7[%get3A_503, %get3A_504] : memref<1024x1536xbf16, #tpu.memory_space<vmem>>, vector<16x1536xbf16>
      %convert_element_type3A_506 = arith.truncf %add3A_492 : vector<16x512xf32> to vector<16x512xbf16>
      %dot_general3A_507 = arith.constant dense<0.000000e+00> : vector<16x1536xf32>
      %dot_general3A_508 = tpu.matmul %convert_element_type3A_506, %get3A_19, %dot_general3A_507 {dimension_numbers = #tpu.dot_dimension_numbers<[1], [0], [0], [1], [0, 0, 1, 1], [], []>, transpose_lhs_hint = false} : vector<16x512xbf16>, vector<512x1536xbf16>, vector<16x1536xf32> -> vector<16x1536xf32>
      %add3A_509 = vector.broadcast %get3A_22 : vector<1x1536xf32> to vector<16x1536xf32>
      %add3A_510 = arith.addf %dot_general3A_508, %add3A_509 : vector<16x1536xf32>
      %slice3A_511 = vector.extract_strided_slice %get3A_505 {offsets = [0, 0], sizes = [16, 512], strides = [1, 1]} : vector<16x1536xbf16> to vector<16x512xbf16>
      %slice3A_512 = vector.extract_strided_slice %add3A_510 {offsets = [0, 0], sizes = [16, 512], strides = [1, 1]} : vector<16x1536xf32> to vector<16x512xf32>
      %convert_element_type3A_513 = arith.extf %slice3A_511 : vector<16x512xbf16> to vector<16x512xf32>
      %add3A_514 = arith.addf %convert_element_type3A_513, %slice3A_512 : vector<16x512xf32>
      %logistic3A_515 = arith.negf %add3A_514 : vector<16x512xf32>
      %logistic3A_516 = math.exp %logistic3A_515 : vector<16x512xf32>
      %logistic3A_517 = arith.constant 1.000000e+00 : f32
      %logistic3A_518 = vector.broadcast %logistic3A_517 : f32 to vector<16x512xf32>
      %logistic3A_519 = arith.addf %logistic3A_518, %logistic3A_516 : vector<16x512xf32>
      %logistic3A_520 = arith.divf %logistic3A_518, %logistic3A_519 : vector<16x512xf32>
      %slice3A_521 = vector.extract_strided_slice %get3A_505 {offsets = [0, 512], sizes = [16, 512], strides = [1, 1]} : vector<16x1536xbf16> to vector<16x512xbf16>
      %slice3A_522 = vector.extract_strided_slice %add3A_510 {offsets = [0, 512], sizes = [16, 512], strides = [1, 1]} : vector<16x1536xf32> to vector<16x512xf32>
      %convert_element_type3A_523 = arith.extf %slice3A_521 : vector<16x512xbf16> to vector<16x512xf32>
      %add3A_524 = arith.addf %convert_element_type3A_523, %slice3A_522 : vector<16x512xf32>
      %logistic3A_525 = arith.negf %add3A_524 : vector<16x512xf32>
      %logistic3A_526 = math.exp %logistic3A_525 : vector<16x512xf32>
      %logistic3A_527 = arith.constant 1.000000e+00 : f32
      %logistic3A_528 = vector.broadcast %logistic3A_527 : f32 to vector<16x512xf32>
      %logistic3A_529 = arith.addf %logistic3A_528, %logistic3A_526 : vector<16x512xf32>
      %logistic3A_530 = arith.divf %logistic3A_528, %logistic3A_529 : vector<16x512xf32>
      %slice3A_531 = vector.extract_strided_slice %get3A_505 {offsets = [0, 1024], sizes = [16, 512], strides = [1, 1]} : vector<16x1536xbf16> to vector<16x512xbf16>
      %slice3A_532 = vector.extract_strided_slice %add3A_510 {offsets = [0, 1024], sizes = [16, 512], strides = [1, 1]} : vector<16x1536xf32> to vector<16x512xf32>
      %mul3A_533 = arith.mulf %logistic3A_520, %slice3A_532 : vector<16x512xf32>
      %convert_element_type3A_534 = arith.extf %slice3A_531 : vector<16x512xbf16> to vector<16x512xf32>
      %add3A_535 = arith.addf %convert_element_type3A_534, %mul3A_533 : vector<16x512xf32>
      %tanh3A_536 = math.tanh %add3A_535 : vector<16x512xf32>
      %sub3A_537 = arith.subf %add3A_492, %tanh3A_536 : vector<16x512xf32>
      %mul3A_538 = arith.mulf %logistic3A_530, %sub3A_537 : vector<16x512xf32>
      %add3A_539 = arith.addf %tanh3A_536, %mul3A_538 : vector<16x512xf32>
      %swap3A_540 = arith.index_cast %scan3A_500 : i32 to index
      %swap3A_541 = arith.constant 0 : index
      %swap3A_542 = arith.constant 0 : index
      %swap3A_543 = vector.load %arg6[%swap3A_540, %swap3A_541, %swap3A_542] : memref<64x16x512xf32, #tpu.memory_space<vmem>>, vector<1x16x512xf32>
      %swap3A_544 = vector.shape_cast %swap3A_543 : vector<1x16x512xf32> to vector<16x512xf32>
      %swap3A_545 = vector.shape_cast %add3A_539 : vector<16x512xf32> to vector<1x16x512xf32>
      tpu.vector_store %arg6[%swap3A_540, %swap3A_541, %swap3A_542], %swap3A_545 {strides = array<i32>} : memref<64x16x512xf32, #tpu.memory_space<vmem>>, vector<1x16x512xf32>,
      %scan3A_546 = arith.constant 11 : i32
      %scan3A_547 = arith.addi %scan3A_34, %scan3A_546 : i32
      %mul3A_548 = arith.constant 16 : i32
      %mul3A_549 = arith.muli %scan3A_547, %mul3A_548 : i32
      %get3A_550 = arith.index_cast %mul3A_549 : i32 to index
      %get3A_551 = arith.constant 0 : index
      %get3A_552 = vector.load %arg7[%get3A_550, %get3A_551] : memref<1024x1536xbf16, #tpu.memory_space<vmem>>, vector<16x1536xbf16>
      %convert_element_type3A_553 = arith.truncf %add3A_539 : vector<16x512xf32> to vector<16x512xbf16>
      %dot_general3A_554 = arith.constant dense<0.000000e+00> : vector<16x1536xf32>
      %dot_general3A_555 = tpu.matmul %convert_element_type3A_553, %get3A_19, %dot_general3A_554 {dimension_numbers = #tpu.dot_dimension_numbers<[1], [0], [0], [1], [0, 0, 1, 1], [], []>, transpose_lhs_hint = false} : vector<16x512xbf16>, vector<512x1536xbf16>, vector<16x1536xf32> -> vector<16x1536xf32>
      %add3A_556 = vector.broadcast %get3A_22 : vector<1x1536xf32> to vector<16x1536xf32>
      %add3A_557 = arith.addf %dot_general3A_555, %add3A_556 : vector<16x1536xf32>
      %slice3A_558 = vector.extract_strided_slice %get3A_552 {offsets = [0, 0], sizes = [16, 512], strides = [1, 1]} : vector<16x1536xbf16> to vector<16x512xbf16>
      %slice3A_559 = vector.extract_strided_slice %add3A_557 {offsets = [0, 0], sizes = [16, 512], strides = [1, 1]} : vector<16x1536xf32> to vector<16x512xf32>
      %convert_element_type3A_560 = arith.extf %slice3A_558 : vector<16x512xbf16> to vector<16x512xf32>
      %add3A_561 = arith.addf %convert_element_type3A_560, %slice3A_559 : vector<16x512xf32>
      %logistic3A_562 = arith.negf %add3A_561 : vector<16x512xf32>
      %logistic3A_563 = math.exp %logistic3A_562 : vector<16x512xf32>
      %logistic3A_564 = arith.constant 1.000000e+00 : f32
      %logistic3A_565 = vector.broadcast %logistic3A_564 : f32 to vector<16x512xf32>
      %logistic3A_566 = arith.addf %logistic3A_565, %logistic3A_563 : vector<16x512xf32>
      %logistic3A_567 = arith.divf %logistic3A_565, %logistic3A_566 : vector<16x512xf32>
      %slice3A_568 = vector.extract_strided_slice %get3A_552 {offsets = [0, 512], sizes = [16, 512], strides = [1, 1]} : vector<16x1536xbf16> to vector<16x512xbf16>
      %slice3A_569 = vector.extract_strided_slice %add3A_557 {offsets = [0, 512], sizes = [16, 512], strides = [1, 1]} : vector<16x1536xf32> to vector<16x512xf32>
      %convert_element_type3A_570 = arith.extf %slice3A_568 : vector<16x512xbf16> to vector<16x512xf32>
      %add3A_571 = arith.addf %convert_element_type3A_570, %slice3A_569 : vector<16x512xf32>
      %logistic3A_572 = arith.negf %add3A_571 : vector<16x512xf32>
      %logistic3A_573 = math.exp %logistic3A_572 : vector<16x512xf32>
      %logistic3A_574 = arith.constant 1.000000e+00 : f32
      %logistic3A_575 = vector.broadcast %logistic3A_574 : f32 to vector<16x512xf32>
      %logistic3A_576 = arith.addf %logistic3A_575, %logistic3A_573 : vector<16x512xf32>
      %logistic3A_577 = arith.divf %logistic3A_575, %logistic3A_576 : vector<16x512xf32>
      %slice3A_578 = vector.extract_strided_slice %get3A_552 {offsets = [0, 1024], sizes = [16, 512], strides = [1, 1]} : vector<16x1536xbf16> to vector<16x512xbf16>
      %slice3A_579 = vector.extract_strided_slice %add3A_557 {offsets = [0, 1024], sizes = [16, 512], strides = [1, 1]} : vector<16x1536xf32> to vector<16x512xf32>
      %mul3A_580 = arith.mulf %logistic3A_567, %slice3A_579 : vector<16x512xf32>
      %convert_element_type3A_581 = arith.extf %slice3A_578 : vector<16x512xbf16> to vector<16x512xf32>
      %add3A_582 = arith.addf %convert_element_type3A_581, %mul3A_580 : vector<16x512xf32>
      %tanh3A_583 = math.tanh %add3A_582 : vector<16x512xf32>
      %sub3A_584 = arith.subf %add3A_539, %tanh3A_583 : vector<16x512xf32>
      %mul3A_585 = arith.mulf %logistic3A_577, %sub3A_584 : vector<16x512xf32>
      %add3A_586 = arith.addf %tanh3A_583, %mul3A_585 : vector<16x512xf32>
      %swap3A_587 = arith.index_cast %scan3A_547 : i32 to index
      %swap3A_588 = arith.constant 0 : index
      %swap3A_589 = arith.constant 0 : index
      %swap3A_590 = vector.load %arg6[%swap3A_587, %swap3A_588, %swap3A_589] : memref<64x16x512xf32, #tpu.memory_space<vmem>>, vector<1x16x512xf32>
      %swap3A_591 = vector.shape_cast %swap3A_590 : vector<1x16x512xf32> to vector<16x512xf32>
      %swap3A_592 = vector.shape_cast %add3A_586 : vector<16x512xf32> to vector<1x16x512xf32>
      tpu.vector_store %arg6[%swap3A_587, %swap3A_588, %swap3A_589], %swap3A_592 {strides = array<i32>} : memref<64x16x512xf32, #tpu.memory_space<vmem>>, vector<1x16x512xf32>,
      %scan3A_593 = arith.constant 12 : i32
      %scan3A_594 = arith.addi %scan3A_34, %scan3A_593 : i32
      %mul3A_595 = arith.constant 16 : i32
      %mul3A_596 = arith.muli %scan3A_594, %mul3A_595 : i32
      %get3A_597 = arith.index_cast %mul3A_596 : i32 to index
      %get3A_598 = arith.constant 0 : index
      %get3A_599 = vector.load %arg7[%get3A_597, %get3A_598] : memref<1024x1536xbf16, #tpu.memory_space<vmem>>, vector<16x1536xbf16>
      %convert_element_type3A_600 = arith.truncf %add3A_586 : vector<16x512xf32> to vector<16x512xbf16>
      %dot_general3A_601 = arith.constant dense<0.000000e+00> : vector<16x1536xf32>
      %dot_general3A_602 = tpu.matmul %convert_element_type3A_600, %get3A_19, %dot_general3A_601 {dimension_numbers = #tpu.dot_dimension_numbers<[1], [0], [0], [1], [0, 0, 1, 1], [], []>, transpose_lhs_hint = false} : vector<16x512xbf16>, vector<512x1536xbf16>, vector<16x1536xf32> -> vector<16x1536xf32>
      %add3A_603 = vector.broadcast %get3A_22 : vector<1x1536xf32> to vector<16x1536xf32>
      %add3A_604 = arith.addf %dot_general3A_602, %add3A_603 : vector<16x1536xf32>
      %slice3A_605 = vector.extract_strided_slice %get3A_599 {offsets = [0, 0], sizes = [16, 512], strides = [1, 1]} : vector<16x1536xbf16> to vector<16x512xbf16>
      %slice3A_606 = vector.extract_strided_slice %add3A_604 {offsets = [0, 0], sizes = [16, 512], strides = [1, 1]} : vector<16x1536xf32> to vector<16x512xf32>
      %convert_element_type3A_607 = arith.extf %slice3A_605 : vector<16x512xbf16> to vector<16x512xf32>
      %add3A_608 = arith.addf %convert_element_type3A_607, %slice3A_606 : vector<16x512xf32>
      %logistic3A_609 = arith.negf %add3A_608 : vector<16x512xf32>
      %logistic3A_610 = math.exp %logistic3A_609 : vector<16x512xf32>
      %logistic3A_611 = arith.constant 1.000000e+00 : f32
      %logistic3A_612 = vector.broadcast %logistic3A_611 : f32 to vector<16x512xf32>
      %logistic3A_613 = arith.addf %logistic3A_612, %logistic3A_610 : vector<16x512xf32>
      %logistic3A_614 = arith.divf %logistic3A_612, %logistic3A_613 : vector<16x512xf32>
      %slice3A_615 = vector.extract_strided_slice %get3A_599 {offsets = [0, 512], sizes = [16, 512], strides = [1, 1]} : vector<16x1536xbf16> to vector<16x512xbf16>
      %slice3A_616 = vector.extract_strided_slice %add3A_604 {offsets = [0, 512], sizes = [16, 512], strides = [1, 1]} : vector<16x1536xf32> to vector<16x512xf32>
      %convert_element_type3A_617 = arith.extf %slice3A_615 : vector<16x512xbf16> to vector<16x512xf32>
      %add3A_618 = arith.addf %convert_element_type3A_617, %slice3A_616 : vector<16x512xf32>
      %logistic3A_619 = arith.negf %add3A_618 : vector<16x512xf32>
      %logistic3A_620 = math.exp %logistic3A_619 : vector<16x512xf32>
      %logistic3A_621 = arith.constant 1.000000e+00 : f32
      %logistic3A_622 = vector.broadcast %logistic3A_621 : f32 to vector<16x512xf32>
      %logistic3A_623 = arith.addf %logistic3A_622, %logistic3A_620 : vector<16x512xf32>
      %logistic3A_624 = arith.divf %logistic3A_622, %logistic3A_623 : vector<16x512xf32>
      %slice3A_625 = vector.extract_strided_slice %get3A_599 {offsets = [0, 1024], sizes = [16, 512], strides = [1, 1]} : vector<16x1536xbf16> to vector<16x512xbf16>
      %slice3A_626 = vector.extract_strided_slice %add3A_604 {offsets = [0, 1024], sizes = [16, 512], strides = [1, 1]} : vector<16x1536xf32> to vector<16x512xf32>
      %mul3A_627 = arith.mulf %logistic3A_614, %slice3A_626 : vector<16x512xf32>
      %convert_element_type3A_628 = arith.extf %slice3A_625 : vector<16x512xbf16> to vector<16x512xf32>
      %add3A_629 = arith.addf %convert_element_type3A_628, %mul3A_627 : vector<16x512xf32>
      %tanh3A_630 = math.tanh %add3A_629 : vector<16x512xf32>
      %sub3A_631 = arith.subf %add3A_586, %tanh3A_630 : vector<16x512xf32>
      %mul3A_632 = arith.mulf %logistic3A_624, %sub3A_631 : vector<16x512xf32>
      %add3A_633 = arith.addf %tanh3A_630, %mul3A_632 : vector<16x512xf32>
      %swap3A_634 = arith.index_cast %scan3A_594 : i32 to index
      %swap3A_635 = arith.constant 0 : index
      %swap3A_636 = arith.constant 0 : index
      %swap3A_637 = vector.load %arg6[%swap3A_634, %swap3A_635, %swap3A_636] : memref<64x16x512xf32, #tpu.memory_space<vmem>>, vector<1x16x512xf32>
      %swap3A_638 = vector.shape_cast %swap3A_637 : vector<1x16x512xf32> to vector<16x512xf32>
      %swap3A_639 = vector.shape_cast %add3A_633 : vector<16x512xf32> to vector<1x16x512xf32>
      tpu.vector_store %arg6[%swap3A_634, %swap3A_635, %swap3A_636], %swap3A_639 {strides = array<i32>} : memref<64x16x512xf32, #tpu.memory_space<vmem>>, vector<1x16x512xf32>,
      %scan3A_640 = arith.constant 13 : i32
      %scan3A_641 = arith.addi %scan3A_34, %scan3A_640 : i32
      %mul3A_642 = arith.constant 16 : i32
      %mul3A_643 = arith.muli %scan3A_641, %mul3A_642 : i32
      %get3A_644 = arith.index_cast %mul3A_643 : i32 to index
      %get3A_645 = arith.constant 0 : index
      %get3A_646 = vector.load %arg7[%get3A_644, %get3A_645] : memref<1024x1536xbf16, #tpu.memory_space<vmem>>, vector<16x1536xbf16>
      %convert_element_type3A_647 = arith.truncf %add3A_633 : vector<16x512xf32> to vector<16x512xbf16>
      %dot_general3A_648 = arith.constant dense<0.000000e+00> : vector<16x1536xf32>
      %dot_general3A_649 = tpu.matmul %convert_element_type3A_647, %get3A_19, %dot_general3A_648 {dimension_numbers = #tpu.dot_dimension_numbers<[1], [0], [0], [1], [0, 0, 1, 1], [], []>, transpose_lhs_hint = false} : vector<16x512xbf16>, vector<512x1536xbf16>, vector<16x1536xf32> -> vector<16x1536xf32>
      %add3A_650 = vector.broadcast %get3A_22 : vector<1x1536xf32> to vector<16x1536xf32>
      %add3A_651 = arith.addf %dot_general3A_649, %add3A_650 : vector<16x1536xf32>
      %slice3A_652 = vector.extract_strided_slice %get3A_646 {offsets = [0, 0], sizes = [16, 512], strides = [1, 1]} : vector<16x1536xbf16> to vector<16x512xbf16>
      %slice3A_653 = vector.extract_strided_slice %add3A_651 {offsets = [0, 0], sizes = [16, 512], strides = [1, 1]} : vector<16x1536xf32> to vector<16x512xf32>
      %convert_element_type3A_654 = arith.extf %slice3A_652 : vector<16x512xbf16> to vector<16x512xf32>
      %add3A_655 = arith.addf %convert_element_type3A_654, %slice3A_653 : vector<16x512xf32>
      %logistic3A_656 = arith.negf %add3A_655 : vector<16x512xf32>
      %logistic3A_657 = math.exp %logistic3A_656 : vector<16x512xf32>
      %logistic3A_658 = arith.constant 1.000000e+00 : f32
      %logistic3A_659 = vector.broadcast %logistic3A_658 : f32 to vector<16x512xf32>
      %logistic3A_660 = arith.addf %logistic3A_659, %logistic3A_657 : vector<16x512xf32>
      %logistic3A_661 = arith.divf %logistic3A_659, %logistic3A_660 : vector<16x512xf32>
      %slice3A_662 = vector.extract_strided_slice %get3A_646 {offsets = [0, 512], sizes = [16, 512], strides = [1, 1]} : vector<16x1536xbf16> to vector<16x512xbf16>
      %slice3A_663 = vector.extract_strided_slice %add3A_651 {offsets = [0, 512], sizes = [16, 512], strides = [1, 1]} : vector<16x1536xf32> to vector<16x512xf32>
      %convert_element_type3A_664 = arith.extf %slice3A_662 : vector<16x512xbf16> to vector<16x512xf32>
      %add3A_665 = arith.addf %convert_element_type3A_664, %slice3A_663 : vector<16x512xf32>
      %logistic3A_666 = arith.negf %add3A_665 : vector<16x512xf32>
      %logistic3A_667 = math.exp %logistic3A_666 : vector<16x512xf32>
      %logistic3A_668 = arith.constant 1.000000e+00 : f32
      %logistic3A_669 = vector.broadcast %logistic3A_668 : f32 to vector<16x512xf32>
      %logistic3A_670 = arith.addf %logistic3A_669, %logistic3A_667 : vector<16x512xf32>
      %logistic3A_671 = arith.divf %logistic3A_669, %logistic3A_670 : vector<16x512xf32>
      %slice3A_672 = vector.extract_strided_slice %get3A_646 {offsets = [0, 1024], sizes = [16, 512], strides = [1, 1]} : vector<16x1536xbf16> to vector<16x512xbf16>
      %slice3A_673 = vector.extract_strided_slice %add3A_651 {offsets = [0, 1024], sizes = [16, 512], strides = [1, 1]} : vector<16x1536xf32> to vector<16x512xf32>
      %mul3A_674 = arith.mulf %logistic3A_661, %slice3A_673 : vector<16x512xf32>
      %convert_element_type3A_675 = arith.extf %slice3A_672 : vector<16x512xbf16> to vector<16x512xf32>
      %add3A_676 = arith.addf %convert_element_type3A_675, %mul3A_674 : vector<16x512xf32>
      %tanh3A_677 = math.tanh %add3A_676 : vector<16x512xf32>
      %sub3A_678 = arith.subf %add3A_633, %tanh3A_677 : vector<16x512xf32>
      %mul3A_679 = arith.mulf %logistic3A_671, %sub3A_678 : vector<16x512xf32>
      %add3A_680 = arith.addf %tanh3A_677, %mul3A_679 : vector<16x512xf32>
      %swap3A_681 = arith.index_cast %scan3A_641 : i32 to index
      %swap3A_682 = arith.constant 0 : index
      %swap3A_683 = arith.constant 0 : index
      %swap3A_684 = vector.load %arg6[%swap3A_681, %swap3A_682, %swap3A_683] : memref<64x16x512xf32, #tpu.memory_space<vmem>>, vector<1x16x512xf32>
      %swap3A_685 = vector.shape_cast %swap3A_684 : vector<1x16x512xf32> to vector<16x512xf32>
      %swap3A_686 = vector.shape_cast %add3A_680 : vector<16x512xf32> to vector<1x16x512xf32>
      tpu.vector_store %arg6[%swap3A_681, %swap3A_682, %swap3A_683], %swap3A_686 {strides = array<i32>} : memref<64x16x512xf32, #tpu.memory_space<vmem>>, vector<1x16x512xf32>,
      %scan3A_687 = arith.constant 14 : i32
      %scan3A_688 = arith.addi %scan3A_34, %scan3A_687 : i32
      %mul3A_689 = arith.constant 16 : i32
      %mul3A_690 = arith.muli %scan3A_688, %mul3A_689 : i32
      %get3A_691 = arith.index_cast %mul3A_690 : i32 to index
      %get3A_692 = arith.constant 0 : index
      %get3A_693 = vector.load %arg7[%get3A_691, %get3A_692] : memref<1024x1536xbf16, #tpu.memory_space<vmem>>, vector<16x1536xbf16>
      %convert_element_type3A_694 = arith.truncf %add3A_680 : vector<16x512xf32> to vector<16x512xbf16>
      %dot_general3A_695 = arith.constant dense<0.000000e+00> : vector<16x1536xf32>
      %dot_general3A_696 = tpu.matmul %convert_element_type3A_694, %get3A_19, %dot_general3A_695 {dimension_numbers = #tpu.dot_dimension_numbers<[1], [0], [0], [1], [0, 0, 1, 1], [], []>, transpose_lhs_hint = false} : vector<16x512xbf16>, vector<512x1536xbf16>, vector<16x1536xf32> -> vector<16x1536xf32>
      %add3A_697 = vector.broadcast %get3A_22 : vector<1x1536xf32> to vector<16x1536xf32>
      %add3A_698 = arith.addf %dot_general3A_696, %add3A_697 : vector<16x1536xf32>
      %slice3A_699 = vector.extract_strided_slice %get3A_693 {offsets = [0, 0], sizes = [16, 512], strides = [1, 1]} : vector<16x1536xbf16> to vector<16x512xbf16>
      %slice3A_700 = vector.extract_strided_slice %add3A_698 {offsets = [0, 0], sizes = [16, 512], strides = [1, 1]} : vector<16x1536xf32> to vector<16x512xf32>
      %convert_element_type3A_701 = arith.extf %slice3A_699 : vector<16x512xbf16> to vector<16x512xf32>
      %add3A_702 = arith.addf %convert_element_type3A_701, %slice3A_700 : vector<16x512xf32>
      %logistic3A_703 = arith.negf %add3A_702 : vector<16x512xf32>
      %logistic3A_704 = math.exp %logistic3A_703 : vector<16x512xf32>
      %logistic3A_705 = arith.constant 1.000000e+00 : f32
      %logistic3A_706 = vector.broadcast %logistic3A_705 : f32 to vector<16x512xf32>
      %logistic3A_707 = arith.addf %logistic3A_706, %logistic3A_704 : vector<16x512xf32>
      %logistic3A_708 = arith.divf %logistic3A_706, %logistic3A_707 : vector<16x512xf32>
      %slice3A_709 = vector.extract_strided_slice %get3A_693 {offsets = [0, 512], sizes = [16, 512], strides = [1, 1]} : vector<16x1536xbf16> to vector<16x512xbf16>
      %slice3A_710 = vector.extract_strided_slice %add3A_698 {offsets = [0, 512], sizes = [16, 512], strides = [1, 1]} : vector<16x1536xf32> to vector<16x512xf32>
      %convert_element_type3A_711 = arith.extf %slice3A_709 : vector<16x512xbf16> to vector<16x512xf32>
      %add3A_712 = arith.addf %convert_element_type3A_711, %slice3A_710 : vector<16x512xf32>
      %logistic3A_713 = arith.negf %add3A_712 : vector<16x512xf32>
      %logistic3A_714 = math.exp %logistic3A_713 : vector<16x512xf32>
      %logistic3A_715 = arith.constant 1.000000e+00 : f32
      %logistic3A_716 = vector.broadcast %logistic3A_715 : f32 to vector<16x512xf32>
      %logistic3A_717 = arith.addf %logistic3A_716, %logistic3A_714 : vector<16x512xf32>
      %logistic3A_718 = arith.divf %logistic3A_716, %logistic3A_717 : vector<16x512xf32>
      %slice3A_719 = vector.extract_strided_slice %get3A_693 {offsets = [0, 1024], sizes = [16, 512], strides = [1, 1]} : vector<16x1536xbf16> to vector<16x512xbf16>
      %slice3A_720 = vector.extract_strided_slice %add3A_698 {offsets = [0, 1024], sizes = [16, 512], strides = [1, 1]} : vector<16x1536xf32> to vector<16x512xf32>
      %mul3A_721 = arith.mulf %logistic3A_708, %slice3A_720 : vector<16x512xf32>
      %convert_element_type3A_722 = arith.extf %slice3A_719 : vector<16x512xbf16> to vector<16x512xf32>
      %add3A_723 = arith.addf %convert_element_type3A_722, %mul3A_721 : vector<16x512xf32>
      %tanh3A_724 = math.tanh %add3A_723 : vector<16x512xf32>
      %sub3A_725 = arith.subf %add3A_680, %tanh3A_724 : vector<16x512xf32>
      %mul3A_726 = arith.mulf %logistic3A_718, %sub3A_725 : vector<16x512xf32>
      %add3A_727 = arith.addf %tanh3A_724, %mul3A_726 : vector<16x512xf32>
      %swap3A_728 = arith.index_cast %scan3A_688 : i32 to index
      %swap3A_729 = arith.constant 0 : index
      %swap3A_730 = arith.constant 0 : index
      %swap3A_731 = vector.load %arg6[%swap3A_728, %swap3A_729, %swap3A_730] : memref<64x16x512xf32, #tpu.memory_space<vmem>>, vector<1x16x512xf32>
      %swap3A_732 = vector.shape_cast %swap3A_731 : vector<1x16x512xf32> to vector<16x512xf32>
      %swap3A_733 = vector.shape_cast %add3A_727 : vector<16x512xf32> to vector<1x16x512xf32>
      tpu.vector_store %arg6[%swap3A_728, %swap3A_729, %swap3A_730], %swap3A_733 {strides = array<i32>} : memref<64x16x512xf32, #tpu.memory_space<vmem>>, vector<1x16x512xf32>,
      %scan3A_734 = arith.constant 15 : i32
      %scan3A_735 = arith.addi %scan3A_34, %scan3A_734 : i32
      %mul3A_736 = arith.constant 16 : i32
      %mul3A_737 = arith.muli %scan3A_735, %mul3A_736 : i32
      %get3A_738 = arith.index_cast %mul3A_737 : i32 to index
      %get3A_739 = arith.constant 0 : index
      %get3A_740 = vector.load %arg7[%get3A_738, %get3A_739] : memref<1024x1536xbf16, #tpu.memory_space<vmem>>, vector<16x1536xbf16>
      %convert_element_type3A_741 = arith.truncf %add3A_727 : vector<16x512xf32> to vector<16x512xbf16>
      %dot_general3A_742 = arith.constant dense<0.000000e+00> : vector<16x1536xf32>
      %dot_general3A_743 = tpu.matmul %convert_element_type3A_741, %get3A_19, %dot_general3A_742 {dimension_numbers = #tpu.dot_dimension_numbers<[1], [0], [0], [1], [0, 0, 1, 1], [], []>, transpose_lhs_hint = false} : vector<16x512xbf16>, vector<512x1536xbf16>, vector<16x1536xf32> -> vector<16x1536xf32>
      %add3A_744 = vector.broadcast %get3A_22 : vector<1x1536xf32> to vector<16x1536xf32>
      %add3A_745 = arith.addf %dot_general3A_743, %add3A_744 : vector<16x1536xf32>
      %slice3A_746 = vector.extract_strided_slice %get3A_740 {offsets = [0, 0], sizes = [16, 512], strides = [1, 1]} : vector<16x1536xbf16> to vector<16x512xbf16>
      %slice3A_747 = vector.extract_strided_slice %add3A_745 {offsets = [0, 0], sizes = [16, 512], strides = [1, 1]} : vector<16x1536xf32> to vector<16x512xf32>
      %convert_element_type3A_748 = arith.extf %slice3A_746 : vector<16x512xbf16> to vector<16x512xf32>
      %add3A_749 = arith.addf %convert_element_type3A_748, %slice3A_747 : vector<16x512xf32>
      %logistic3A_750 = arith.negf %add3A_749 : vector<16x512xf32>
      %logistic3A_751 = math.exp %logistic3A_750 : vector<16x512xf32>
      %logistic3A_752 = arith.constant 1.000000e+00 : f32
      %logistic3A_753 = vector.broadcast %logistic3A_752 : f32 to vector<16x512xf32>
      %logistic3A_754 = arith.addf %logistic3A_753, %logistic3A_751 : vector<16x512xf32>
      %logistic3A_755 = arith.divf %logistic3A_753, %logistic3A_754 : vector<16x512xf32>
      %slice3A_756 = vector.extract_strided_slice %get3A_740 {offsets = [0, 512], sizes = [16, 512], strides = [1, 1]} : vector<16x1536xbf16> to vector<16x512xbf16>
      %slice3A_757 = vector.extract_strided_slice %add3A_745 {offsets = [0, 512], sizes = [16, 512], strides = [1, 1]} : vector<16x1536xf32> to vector<16x512xf32>
      %convert_element_type3A_758 = arith.extf %slice3A_756 : vector<16x512xbf16> to vector<16x512xf32>
      %add3A_759 = arith.addf %convert_element_type3A_758, %slice3A_757 : vector<16x512xf32>
      %logistic3A_760 = arith.negf %add3A_759 : vector<16x512xf32>
      %logistic3A_761 = math.exp %logistic3A_760 : vector<16x512xf32>
      %logistic3A_762 = arith.constant 1.000000e+00 : f32
      %logistic3A_763 = vector.broadcast %logistic3A_762 : f32 to vector<16x512xf32>
      %logistic3A_764 = arith.addf %logistic3A_763, %logistic3A_761 : vector<16x512xf32>
      %logistic3A_765 = arith.divf %logistic3A_763, %logistic3A_764 : vector<16x512xf32>
      %slice3A_766 = vector.extract_strided_slice %get3A_740 {offsets = [0, 1024], sizes = [16, 512], strides = [1, 1]} : vector<16x1536xbf16> to vector<16x512xbf16>
      %slice3A_767 = vector.extract_strided_slice %add3A_745 {offsets = [0, 1024], sizes = [16, 512], strides = [1, 1]} : vector<16x1536xf32> to vector<16x512xf32>
      %mul3A_768 = arith.mulf %logistic3A_755, %slice3A_767 : vector<16x512xf32>
      %convert_element_type3A_769 = arith.extf %slice3A_766 : vector<16x512xbf16> to vector<16x512xf32>
      %add3A_770 = arith.addf %convert_element_type3A_769, %mul3A_768 : vector<16x512xf32>
      %tanh3A_771 = math.tanh %add3A_770 : vector<16x512xf32>
      %sub3A_772 = arith.subf %add3A_727, %tanh3A_771 : vector<16x512xf32>
      %mul3A_773 = arith.mulf %logistic3A_765, %sub3A_772 : vector<16x512xf32>
      %add3A_774 = arith.addf %tanh3A_771, %mul3A_773 : vector<16x512xf32>
      %swap3A_775 = arith.index_cast %scan3A_735 : i32 to index
      %swap3A_776 = arith.constant 0 : index
      %swap3A_777 = arith.constant 0 : index
      %swap3A_778 = vector.load %arg6[%swap3A_775, %swap3A_776, %swap3A_777] : memref<64x16x512xf32, #tpu.memory_space<vmem>>, vector<1x16x512xf32>
      %swap3A_779 = vector.shape_cast %swap3A_778 : vector<1x16x512xf32> to vector<16x512xf32>
      %swap3A_780 = vector.shape_cast %add3A_774 : vector<16x512xf32> to vector<1x16x512xf32>
      tpu.vector_store %arg6[%swap3A_775, %swap3A_776, %swap3A_777], %swap3A_780 {strides = array<i32>} : memref<64x16x512xf32, #tpu.memory_space<vmem>>, vector<1x16x512xf32>,
      scf.yield %add3A_774 : vector<16x512xf32>
    }
    %scan3A_30 = arith.constant 64 : i32
    %swap3A_31 = arith.constant 0 : index
    %swap3A_32 = arith.constant 0 : index
    %swap3A_33 = vector.load %arg8[%swap3A_31, %swap3A_32] : memref<16x512xf32, #tpu.memory_space<vmem>>, vector<16x512xf32>
    tpu.vector_store %arg8[%swap3A_31, %swap3A_32], %scan3A_29 {strides = array<i32>} : memref<16x512xf32, #tpu.memory_space<vmem>>, vector<16x512xf32>,
    return
  }
  func.func @transform_0(%arg0: i32) -> (i32, i32, i32) {
    %c0_i32 = arith.constant 0 : i32
    %c0_i32_0 = arith.constant 0 : i32
    %c0_i32_1 = arith.constant 0 : i32
    return %arg0, %c0_i32, %c0_i32_0 : i32, i32, i32
  }
  func.func @transform_1(%arg0: i32) -> (i32, i32) {
    %c0_i32 = arith.constant 0 : i32
    %c0_i32_0 = arith.constant 0 : i32
    %c0_i32_1 = arith.constant 0 : i32
    return %c0_i32, %c0_i32_0 : i32, i32
  }
  func.func @transform_2(%arg0: i32) -> (i32, i32) {
    %c0_i32 = arith.constant 0 : i32
    %c0_i32_0 = arith.constant 0 : i32
    %c0_i32_1 = arith.constant 0 : i32
    return %c0_i32, %c0_i32_0 : i32, i32
  }
  func.func @transform_3(%arg0: i32) -> (i32, i32) {
    %c0_i32 = arith.constant 0 : i32
    %c0_i32_0 = arith.constant 0 : i32
    %c0_i32_1 = arith.constant 0 : i32
    return %c0_i32, %c0_i32_0 : i32, i32
  }
  func.func @transform_4(%arg0: i32) -> (i32, i32) {
    %c0_i32 = arith.constant 0 : i32
    %c0_i32_0 = arith.constant 0 : i32
    %c0_i32_1 = arith.constant 0 : i32
    return %c0_i32, %c0_i32_0 : i32, i32
  }
  func.func @transform_5(%arg0: i32) -> (i32, i32, i32) {
    %c0_i32 = arith.constant 0 : i32
    %c0_i32_0 = arith.constant 0 : i32
    %c0_i32_1 = arith.constant 0 : i32
    return %arg0, %c0_i32, %c0_i32_0 : i32, i32, i32
  }
}

</mosaic_0001>

<sc_bundles>
// kernel: kernel.5.cloned.1.call-start
scs
__scs_entry_jumppad:
0x0: {  	(pc) =	sbr.rel $0x88, $3  }
0x1: {  	(tag) =	ssettag $0x0;
	lr =	simm.s32 $0x1  }
0x2: {  	[smem:$0x3F9A] =	sst lr;
	_ =	strace $0xD0000000  }
0x3: {  	_ = 	snop  }
0x4: {  	_ = 	snop  }
0x5: {  	_ = 	snop  }
0x6: {  	_ = 	snop  }
0x7: {  	_ = 	snop  }
__scs_overlays_trampoline_lowered:
0x8: {  	[smem:$0x3FA9] =	sst s0  }
0x9: {  	[smem:$0x3FAA] =	sst s1  }
0xa: {  	[smem:$0x3FAB] =	sst s2  }
0xb: {  	[smem:$0x3FAC] =	sst s3  }
0xc: {  	[smem:$0x3FAD] =	sst s4  }
0xd: {  	[smem:$0x3FAE] =	sst s5  }
0xe: {  	[smem:$0x3FAF] =	sst s6  }
0xf: {  	[smem:$0x3FB0] =	sst s7  }
0x10: {  	[smem:$0x3FB1] =	sst s8  }
0x11: {  	[smem:$0x3FB2] =	sst s9;
	s0 =	simm.s32 @!p0 $0x0  }
0x12: {  	s1 =	sld [smem:$0x3F98];
	s0 =	simm.s32 @p0 $0x1  }
0x13: {  	[smem:$0x3FB3] =	sst s0;
	s0 =	simm.s32 @!p1 $0x0  }
0x14: {  	s2 =	sld [smem:$0x3F97];
	s0 =	simm.s32 @p1 $0x1  }
0x15: {  	[smem:$0x3FB4] =	sst s0;
	s0 =	simm.s32 @!p2 $0x0  }
0x16: {  	s3 =	sld [smem:$0x3FDB];
	s0 =	simm.s32 @p2 $0x1  }
0x17: {  	s4 =	simm.s32 $0x1BF5;
	[smem:$0x3FB6] =	sst s0  }
0x18: {  	s0 =	sld [smem:$0x3F99];
	_ =	swait.ge [sflag:s4], $0x0  }
0x19: {  	s7 =	sld [smem:$0x3F9A]  }
0x1a: {  	s8 =	sadd.s32 $0xFFFFE003, lr  }
0x1b: {  	s9 =	sadd.s32 $0xFFFFFEF7, lr;
	s5 =	simm.s32 $0xFFFFFFFF;
	p2 =	slt.u32 s8, $0xFFFFF086  }
0x1c: {  	p1 =	slt.u32 s9, $0xF7A;
	s5 =	simm.s32 @!p2 $0x0  }
0x1d: {  	s5 =	simm.s32 @p1 $0x1;
	p0 =	seq.s32 s7, s2  }
0x1e: {  	s7 =	smul.u32 @!p0 $0xF7A, s2;
	p2 =	seq.s32 @!p0 s5, $0x0  }
0x1f: {  	s9 =	smul.u32 $0xF7A, s1;
	s8 =	simm.s32 @!p0 $0x1BF5;
	p2 =	por !p2, p0  }
0x20: {  	[sflag:s8] =	ssyncset.s32 @!p0 $0xFFFFF086;
	s6 =	sadd.s32 @!p0 s3, s7;
	s7 =	simm.s32 @!p0 $0x108  }
0x21: {  	s3 =	sadd.s32 s3, s9;
	s6 =	sadd.s32 @!p0 $0x88, s6;
	s7 =	simm.s32 @p2 $0x1082  }
0x22: {  	[simem:s7], [sflag:s8] =	dma.local @!p0 [hbm:s6], $0xF7A  }
0x23: {  	s9 =	sor.u32 $0xD0000000, s2;
	s6 =	simm.s32 $0x108;
	_ =	swait.ge @!p0 [sflag:s8], $0x0  }
0x24: {  	s3 =	sadd.s32 $0x88, s3;
	s6 =	simm.s32 @!p1 $0x1082;
	[sflag:s4] =	ssyncset.s32 $0xFFFFF086  }
0x25: {  	[simem:s6], [sflag:s4] =	dma.local [hbm:s3], $0xF7A  }
0x26: {  	[smem:$0x3F9A] =	sst s1;
	(tag) =	ssettag s2;
	_ =	strace s9  }
0x27: {  	s1 =	sld [smem:$0x3FAA]  }
0x28: {  	s2 =	sld [smem:$0x3FAB]  }
0x29: {  	s4 =	sld [smem:$0x3FAD]  }
0x2a: {  	p0 =	seq.s32 s5, $0x0;
	s5 =	sld [smem:$0x3FAE]  }
0x2b: {  	s6 =	sld [smem:$0x3FAF]  }
0x2c: {  	s7 =	sld [smem:$0x3FB0]  }
0x2d: {  	s3 =	simm.s32 $0x108;
	s8 =	sld [smem:$0x3FB1]  }
0x2e: {  	s3 =	simm.s32 @!p0 $0x1082;
	s9 =	sld [smem:$0x3FB2]  }
0x2f: {  	lr =	sadd.s32 s0, s3;
	s0 =	sld [smem:$0x3FA9]  }
0x30: {  	s3 =	sld [smem:$0x3FAC]  }
0x31: {  	[smem:$0x3FB5] =	sst s10  }
0x32: {  	s10 =	sld [smem:$0x3FB3];
	_ =	sdelay $0x3  }
0x33: {  	p0 =	seq.s32 s10, $0x1;
	s10 =	sld [smem:$0x3FB5];
	_ =	sdelay $0x3  }
0x34: {  	[smem:$0x3FB5] =	sst s10  }
0x35: {  	s10 =	sld [smem:$0x3FB4];
	_ =	sdelay $0x3  }
0x36: {  	p1 =	seq.s32 s10, $0x1;
	s10 =	sld [smem:$0x3FB5];
	_ =	sdelay $0x3  }
0x37: {  	[smem:$0x3FB5] =	sst s10  }
0x38: {  	s10 =	sld [smem:$0x3FB6]  }
0x39: {  	_ = 	snop;
	(pc) =	sbr.ind lr, $3  }
0x3a: {  	_ = 	snop  }
0x3b: {  	_ = 	snop  }
0x3c: {  	p2 =	seq.s32 s10, $0x1;
	s10 =	sld [smem:$0x3FB5]  }
0x3d: {  	_ =	shalt  }
0x3e: {  	_ =	shalt  }
0x3f: {  	_ =	shalt  }
0x40: {  	_ =	shalt  }
0x41: {  	_ =	shalt  }
0x42: {  	_ =	shalt  }
0x43: {  	_ =	shalt  }
0x44: {  	_ =	shalt  }
0x45: {  	_ =	shalt  }
0x46: {  	_ =	shalt  }
0x47: {  	_ =	shalt  }
0x48: {  	_ =	shalt  }
0x49: {  	_ =	shalt  }
0x4a: {  	_ =	shalt  }
0x4b: {  	_ =	shalt  }
0x4c: {  	_ =	shalt  }
0x4d: {  	_ =	shalt  }
0x4e: {  	_ =	shalt  }
0x4f: {  	_ =	shalt  }
0x50: {  	_ =	shalt  }
0x51: {  	_ =	shalt  }
0x52: {  	_ =	shalt  }
0x53: {  	_ =	shalt  }
0x54: {  	_ =	shalt  }
0x55: {  	_ =	shalt  }
0x56: {  	_ =	shalt  }
0x57: {  	_ =	shalt  }
0x58: {  	_ =	shalt  }
0x59: {  	_ =	shalt  }
0x5a: {  	_ =	shalt  }
0x5b: {  	_ =	shalt  }
0x5c: {  	_ =	shalt  }
0x5d: {  	_ =	shalt  }
0x5e: {  	_ =	shalt  }
0x5f: {  	_ =	shalt  }
0x60: {  	_ =	shalt  }
0x61: {  	_ =	shalt  }
0x62: {  	_ =	shalt  }
0x63: {  	_ =	shalt  }
0x64: {  	_ =	shalt  }
0x65: {  	_ =	shalt  }
0x66: {  	_ =	shalt  }
0x67: {  	_ =	shalt  }
0x68: {  	_ =	shalt  }
0x69: {  	_ =	shalt  }
0x6a: {  	_ =	shalt  }
0x6b: {  	_ =	shalt  }
0x6c: {  	_ =	shalt  }
0x6d: {  	_ =	shalt  }
0x6e: {  	_ =	shalt  }
0x6f: {  	_ =	shalt  }
0x70: {  	_ =	shalt  }
0x71: {  	_ =	shalt  }
0x72: {  	_ =	shalt  }
0x73: {  	_ =	shalt  }
0x74: {  	_ =	shalt  }
0x75: {  	_ =	shalt  }
0x76: {  	_ =	shalt  }
0x77: {  	_ =	shalt  }
0x78: {  	_ =	shalt  }
0x79: {  	_ =	shalt  }
0x7a: {  	_ =	shalt  }
0x7b: {  	_ =	shalt  }
0x7c: {  	_ =	shalt  }
0x7d: {  	_ =	shalt  }
0x7e: {  	_ =	shalt  }
0x7f: {  	_ =	shalt  }
0x80: {  	_ =	shalt  }
0x81: {  	_ =	shalt  }
0x82: {  	_ =	shalt  }
0x83: {  	_ =	shalt  }
0x84: {  	_ =	shalt  }
0x85: {  	_ =	shalt  }
0x86: {  	_ =	shalt  }
0x87: {  	_ =	shalt  }
.Lfunc_end0:
.L_simem_size_0:
called_computation_lowered:
.L_overlay_start_0:
0x88: {  	s2 =	sld [smem:$0x3FD9]  }
0x89: {  	s3 =	sld [smem:$0x3FFE];
	_ =	sdelay $0x1  }
0x8a: {  	s1 =	srdreg.scid  }
0x8b: {  	s0 =	sand.u32 $0x1, s1  }
0x8c: {  	s17 =	sshll.u32 s0, $0xA;
	s2 =	sadd.s32 s3, s2  }
0x8d: {  	s2 =	sadd.s32 s2, s17  }
0x8e: {  	[smem:$0x3FC1] =	sst s2  }
0x8f: {  	_ = 	snop  }
0x90: {  	s2 =	sld [smem:$0x3FC9];
	(tm) =	ssettm $0x1  }
0x91: {  	s18 =	sld [smem:$0x3FFB];
	_ =	sdelay $0x3  }
0x92: {  	_ =	strace s18  }
0x93: {  	s3 =	sld [smem:$0x3FFC];
	_ =	sdelay $0x3  }
0x94: {  	_ =	strace s3  }
0x95: {  	s3 =	sld [smem:$0x3FFD];
	_ =	sdelay $0x3  }
0x96: {  	_ =	strace s3  }
0x97: {  	_ =	strace $0x8FFFFFFF  }
0x98: {  	s19 =	sld [smem:$0x3FDB];
	_ =	sdelay $0x1  }
0x99: {  	s4 =	simm.s32 $_scs_section_size  }
0x9a: {  	s5 =	simm.s32 $_size__tile_overlayer_lowered;
	s6 =	simm.s32 $_tile_overlayer_lowered  }
0x9b: {  	s22 =	simm.s32 $0x1BFF;
	s21 =	sshll.u32 s6, $0x1;
	s3 =	sadd.s32 s4, s19  }
0x9c: {  	s7 =	simm.s32 $0x0;
	s20 =	sshll.u32 s5, $0x1;
	s5 =	sadd.s32 s21, s3  }
0x9d: {  	[timem:s7], [sflag:s22] =	dma.local [hbm:s5], s20  }
0x9e: {  	_ =	swait.ge [sflag:s22], s20  }
0x9f: {  	s4 =	ssub.s32 $0x0, s20;
	[sflag:s22] =	ssyncset.done $0x0  }
0xa0: {  	[sflag:s22] =	ssyncadd.s32 s4;
	_ =	sdelay $0x1  }
0xa1: {  	s23 =	simm.s32 $0x1B8B  }
0xa2: {  	_ =	swait.ge [sflag:s23], $0x1  }
0xa3: {  	[sflag:s23] =	ssyncset.done $0x0  }
0xa4: {  	s25 =	simm.s32 $0x1B8E;
	s24 =	sld [smem:$0x3FFE];
	[sflag:s23] =	ssyncadd.s32 $0xFFFFFFFF  }
0xa5: {  	s26 =	simm.s32 $execute0_lowered;
	[smem:$0x3FD2] =	sst s25  }
0xa6: {  	s5 =	sshll.u32 s26, $0x1;
	_ =	strace $0x80000046;
	[dreg:$0x1] =	wrdreg $0xFFFFFFFF  }
0xa7: {  	s28 =	simm.s32 $_size_execute0_lowered;
	s3 =	sadd.s32 s3, s5;
	[dreg:$0x0] =	wrdreg $0x0  }
0xa8: {  	s5 =	sshll.u32 s28, $0x1;
	[dreg:$0x2] =	wrdreg s3  }
0xa9: {  	[dreg:$0x3] =	wrdreg s5  }
0xaa: {  	[dreg:$0x4] =	wrdreg $0xC0  }
0xab: {  	_ =	task [dreg:s7], $0x5FFFF  }
0xac: {  	[dreg:$0x1] =	wrdreg $0xFFFFFFFF  }
0xad: {  	[dreg:$0x0] =	wrdreg $0x60  }
0xae: {  	[dreg:$0x2] =	wrdreg s2  }
0xaf: {  	[dreg:$0x3] =	wrdreg s24  }
0xb0: {  	[dreg:$0x4] =	wrdreg $0x9  }
0xb1: {  	_ =	task.clear_ibuf [dreg:s7], $0x5FFFF;
	_ =	strace $0x90000046  }
0xb2: {  	s29 =	simm.s32 $0x9;
	_ =	strace $0x80000048  }
0xb3: {  	_ =	swait.ge [sflag:s29], $0x1  }
0xb4: {  	[sflag:s29] =	ssyncadd.s32 $0xFFFFFFFF  }
0xb5: {  	_ =	strace $0x90000048  }
0xb6: {  	_ =	sfence  }
0xb7: {  	s30 =	sld [smem:$0x0];
	_ =	sdelay $0x2  }
0xb8: {  	s31 =	sshll.u32 s1, $0xD;
	s1 =	sshrl.u32 s1, $0x2  }
0xb9: {  	s3 =	sand.u32 $0x4000, s31;
	s1 =	sadd.s32 s1, s30  }
0xba: {  	s0 =	sor.u32 s3, s0;
	s1 =	sshll.u32 s1, $0x11  }
0xbb: {  	s0 =	sor.u32 s1, s0  }
0xbc: {  	s0 =	sadd.s32 $0x8F2B, s0  }
0xbd: {  	[sflag:s0] =	ssyncadd.remote.s32 $0x1  }
0xbe: {  	_ =	sfence.sel $0xFFFF  }
0xbf: {  	[dreg:$0x0] =	wrdreg $0xFFFFFFFF;
	(pc) =	sbr.abs _section_cstart, $3  }
0xc0: {  	[dreg:$0x1] =	wrdreg $0xFFFFFFFF  }
0xc1: {  	_ =	task.clear_ibuf [dreg:s7], $0x2FFFF;
	_ =	strace $0x9FFFFFFF  }
0xc2: {  	(tm) =	ssettm $0x7FFFFFFF  }
0xc3: {  	_ =	shalt  }
tec
execute0_lowered:
.L_overlay_start_1:
0x0: {  	(tag) =	ssettag $0x1  }
0x1: {  	s3 =	srdreg.scid  }
0x2: {  	s4 =	stileid.u32;
	s3 =	sand.u32 $0x1, s3  }
0x3: {  	s0 =	rddreg [dreg:$0x0];
	s4 =	sshll.u32 s4, $0x8;
	s5 =	sshll.u32 s3, $0x7  }
0x4: {  	s1 =	rddreg [dreg:$0x1];
	s2 =	simm.s32 $0x0;
	s9 =	sor.u32 s5, s4  }
0x5: {  	s10 =	simm.s32 $0x2000;
	s11 =	simm.s32 $0x1;
	s28 =	simm.s32 $0xB080;
	v0 =	vmov s9  }
0x6: {  	s29 =	simm.s32 $0xB880;
	s30 =	simm.s32 $0xC080;
	s31 =	simm.s32 $0xC880;
	v0 =	vshrl.u32 v0, $0x7  }
0x7: {  	s12 =	simm.s32 $0xE080;
	s13 =	simm.s32 $0xE880;
	s14 =	simm.s32 $0xF080;
	v0 =	vshll.u32 v0, $0x7  }
0x8: {  	s15 =	simm.s32 $0xF880;
	s16 =	simm.s32 $0x10080;
	s17 =	simm.s32 $0x10880;
	v8 =	vbroadcast v0, $0x0;
	v0 =	vlaneseq.u32  }
0x9: {  	vm0 =	vmmov $0xffff;
	s18 =	simm.s32 $0x11080;
	s19 =	simm.s32 $0x11880;
	s20 =	simm.s32 $0x12080;
	v2 =	vor.u32 $0x10, v0  }
0xa: {  	s21 =	simm.s32 $0x12880;
	s22 =	simm.s32 $0x2;
	[smem:$0x7FF] =	sst s2;
	v3 =	vor.u32 $0x20, v0;
	v4 =	vor.u32 $0x30, v0;
	v5 =	vor.u32 $0x40, v0  }
0xb: {  	s23 =	simm.s32 $0x0;
	_ =	strace $0x80000047;
	s6 =	ssub.s32 $0x2, s3;
	v6 =	vor.u32 $0x50, v0;
	v7 =	vor.u32 $0x60, v0;
	v9 =	vor.u32 $0x70, v0  }
0xc: {  	s3 =	sadd.s32 $0x1200, s1;
	s26 =	sshrl.u32 s6, $0x1;
	s4 =	sadd.s32 $0x1600, s1;
	v10 =	vshrl.u32 v0, $0x3;
	v11 =	vor.u32 $0x8, v0;
	v1 =	vor.u32 v0, v8  }
0xd: {  	s7 =	sshll.u32 s9, $0x6;
	s8 =	ssub.s32 s6, s26;
	s6 =	sadd.s32 $0x1700, s1;
	v2 =	vor.u32 v2, v8;
	v3 =	vor.u32 v3, v8;
	v4 =	vor.u32 v4, v8  }
0xe: {  	s9 =	simm.s32 $0x3;
	s1 =	simm.s32 $0xD880;
	s5 =	sadd.s32 s0, s7;
	v5 =	vor.u32 v5, v8;
	v6 =	vor.u32 v6, v8;
	v7 =	vor.u32 v7, v8  }
0xf: {  	s7 =	smax.u32 s8, $0x1;
	s8 =	simm.s32 $0x3080;
	s0 =	simm.s32 $0xD080;
	v8 =	vor.u32 v9, v8;
	v9 =	vand.u32 $0x7, v0;
	v10 =	vmul.u32 $0x8, v10  }
.LBB2_1:
0x10: {  	[tilespmem:s8], [sflag:$0x1] =	stream.linear.gather [hbm4b:s5+s2], $0x10000, $0x38;
	[tilespmem:$0x13080] =	vst v63  }
0x11: {  	_ = 	snop  }
0x12: {  	[tilespmem:s2], [sflag:$0x3] =	stream.linear.gather [hbm4b:s3+s2], $0x2000, $0x38;
	[tilespmem:$0x13080] =	vst v63  }
0x13: {  	_ =	swait.ge [sflag:s9], $0x2000  }
0x14: {  	[sflag:s9] =	ssyncset.done $0x0  }
0x15: {  	s24 =	simm.s32 $0x70;
	s25 =	simm.s32 $0x40;
	[sflag:s9] =	ssyncadd.s32 $0xFFFFE000  }
.LBB2_2:
0x16: {  	v12 =	vld [tilespmem:s25+$0xFFFFFFC0];
	_ =	sdelay $0x5  }
0x17: {  	s26 =	sadd.s32 $0xFFFFFF90, s24  }
0x18: {  	v13 =	vor.u32 s26, v0  }
0x19: {  	[tilespmem:v12+s10+$0x0] =	vst.idx.msk $0xffff, v13  }
0x1a: {  	v12 =	vld [tilespmem:s25+$0xFFFFFFD0];
	_ =	sdelay $0x5  }
0x1b: {  	s26 =	sadd.s32 $0xFFFFFFA0, s24  }
0x1c: {  	v57 =	vor.u32 s26, v0  }
0x1d: {  	[tilespmem:v12+s10+$0x0] =	vst.idx.msk $0xffff, v57  }
0x1e: {  	v12 =	vld [tilespmem:s25+$0xFFFFFFE0];
	_ =	sdelay $0x5  }
0x1f: {  	s26 =	sadd.s32 $0xFFFFFFB0, s24  }
0x20: {  	v58 =	vor.u32 s26, v0  }
0x21: {  	[tilespmem:v12+s10+$0x0] =	vst.idx.msk $0xffff, v58  }
0x22: {  	v12 =	vld [tilespmem:s25+$0xFFFFFFF0];
	_ =	sdelay $0x5  }
0x23: {  	s26 =	sadd.s32 $0xFFFFFFC0, s24  }
0x24: {  	v59 =	vor.u32 s26, v0  }
0x25: {  	[tilespmem:v12+s10+$0x0] =	vst.idx.msk $0xffff, v59  }
0x26: {  	v12 =	vld [tilespmem:s25+$0x0];
	_ =	sdelay $0x5  }
0x27: {  	s26 =	sadd.s32 $0xFFFFFFD0, s24  }
0x28: {  	v60 =	vor.u32 s26, v0  }
0x29: {  	[tilespmem:v12+s10+$0x0] =	vst.idx.msk $0xffff, v60  }
0x2a: {  	v12 =	vld [tilespmem:s25+$0x10];
	_ =	sdelay $0x5  }
0x2b: {  	s26 =	sadd.s32 $0xFFFFFFE0, s24  }
0x2c: {  	v61 =	vor.u32 s26, v0  }
0x2d: {  	[tilespmem:v12+s10+$0x0] =	vst.idx.msk $0xffff, v61  }
0x2e: {  	v12 =	vld [tilespmem:s25+$0x20];
	_ =	sdelay $0x5  }
0x2f: {  	s26 =	sadd.s32 $0xFFFFFFF0, s24  }
0x30: {  	v62 =	vor.u32 s26, v0  }
0x31: {  	[tilespmem:v12+s10+$0x0] =	vst.idx.msk $0xffff, v62  }
0x32: {  	v12 =	vld [tilespmem:s25+$0x30];
	_ =	sdelay $0x2  }
0x33: {  	p0 =	sne.s32 s24, $0x1FF0  }
.Ltmp0:
0x34: {  	_ = 	snop;
	(pc) =	sbr.rel @p0 .LBB2_2-.Ltmp0, $3  }
0x35: {  	_ =	sdelay $0x1  }
0x36: {  	v63 =	vor.u32 s24, v0  }
0x37: {  	s24 =	sadd.s32 $0x80, s24;
	s25 =	sadd.s32 $0x80, s25;
	[tilespmem:v12+s10+$0x0] =	vst.idx.msk $0xffff, v63  }
0x38: {  	_ = 	snop  }
0x39: {  	_ =	swait.ge [sflag:s11], $0x10000  }
0x3a: {  	[sflag:s11] =	ssyncset.done $0x0  }
0x3b: {  	[sflag:s11] =	ssyncadd.s32 $0xFFFF0000  }
0x3c: {  	v12 =	vld.idx.msk [tilespmem:v1+s10+$0x0], $0xffff;
	_ =	sdelay $0x4  }
0x3d: {  	v13 =	vshll.u32 v12, $0x2  }
0x3e: {  	v12 =	vand.u32 $0x7, v12;
	v13 =	vand.u32 $0xFFFFFFE0, v13  }
0x3f: {  	v12 =	vor.u32 v12, v13  }
0x40: {  	v13 =	vperm.xlane v12, v9;
	_ =	sdelay $0x1  }
0x41: {  	v13 =	vadd.s32 v10, v13;
	_ =	sdelay $0x1  }
0x42: {  	v12 =	vperm.xlane v12, v11;
	_ =	sdelay $0x1  }
0x43: {  	v12 =	vadd.s32 v10, v12  }
0x44: {  	[hbm4b:s4+s2] =	stream.indirect_vreg.scatter [tilespmem:s8], [sflag:$0x2], $0x80, v13, vm0, $0xb8;
	[tilespmem:$0x13080] =	vst v63  }
0x45: {  	s24 =	simm.s32 $0x3880  }
0x46: {  	[hbm4b:s6+s2] =	stream.indirect_vreg.scatter [tilespmem:s24], [sflag:$0x2], $0x80, v13, vm0, $0xb8;
	[tilespmem:$0x13080] =	vst v63  }
0x47: {  	s25 =	simm.s32 $0x4080  }
0x48: {  	[hbm4b:s4+s2] =	stream.indirect_vreg.scatter [tilespmem:s25], [sflag:$0x2], $0x80, v12, vm0, $0xb8;
	[tilespmem:$0x13080] =	vst v63  }
0x49: {  	s26 =	simm.s32 $0x4880  }
0x4a: {  	[hbm4b:s6+s2] =	stream.indirect_vreg.scatter [tilespmem:s26], [sflag:$0x2], $0x80, v12, vm0, $0xb8;
	[tilespmem:$0x13080] =	vst v63  }
0x4b: {  	v12 =	vld.idx.msk [tilespmem:v2+s10+$0x0], $0xffff;
	_ =	sdelay $0x4  }
0x4c: {  	v57 =	vshll.u32 v12, $0x2  }
0x4d: {  	v12 =	vand.u32 $0x7, v12;
	v13 =	vand.u32 $0xFFFFFFE0, v57  }
0x4e: {  	v12 =	vor.u32 v12, v13  }
0x4f: {  	v13 =	vperm.xlane v12, v9;
	_ =	sdelay $0x1  }
0x50: {  	v13 =	vadd.s32 v10, v13;
	_ =	sdelay $0x1  }
0x51: {  	v12 =	vperm.xlane v12, v11;
	_ =	sdelay $0x1  }
0x52: {  	s25 =	simm.s32 $0x5080;
	v12 =	vadd.s32 v10, v12  }
0x53: {  	[hbm4b:s4+s2] =	stream.indirect_vreg.scatter [tilespmem:s25], [sflag:$0x2], $0x80, v13, vm0, $0xb8;
	[tilespmem:$0x13080] =	vst v63  }
0x54: {  	s26 =	simm.s32 $0x5880  }
0x55: {  	[hbm4b:s6+s2] =	stream.indirect_vreg.scatter [tilespmem:s26], [sflag:$0x2], $0x80, v13, vm0, $0xb8;
	[tilespmem:$0x13080] =	vst v63  }
0x56: {  	s25 =	simm.s32 $0x6080  }
0x57: {  	[hbm4b:s4+s2] =	stream.indirect_vreg.scatter [tilespmem:s25], [sflag:$0x2], $0x80, v12, vm0, $0xb8;
	[tilespmem:$0x13080] =	vst v63  }
0x58: {  	s26 =	simm.s32 $0x6880  }
0x59: {  	[hbm4b:s6+s2] =	stream.indirect_vreg.scatter [tilespmem:s26], [sflag:$0x2], $0x80, v12, vm0, $0xb8;
	[tilespmem:$0x13080] =	vst v63  }
0x5a: {  	v12 =	vld.idx.msk [tilespmem:v3+s10+$0x0], $0xffff;
	_ =	sdelay $0x4  }
0x5b: {  	v58 =	vshll.u32 v12, $0x2  }
0x5c: {  	v12 =	vand.u32 $0x7, v12;
	v13 =	vand.u32 $0xFFFFFFE0, v58  }
0x5d: {  	v12 =	vor.u32 v12, v13  }
0x5e: {  	v13 =	vperm.xlane v12, v9;
	_ =	sdelay $0x1  }
0x5f: {  	v13 =	vadd.s32 v10, v13;
	_ =	sdelay $0x1  }
0x60: {  	v12 =	vperm.xlane v12, v11;
	_ =	sdelay $0x1  }
0x61: {  	s25 =	simm.s32 $0x7080;
	v12 =	vadd.s32 v10, v12  }
0x62: {  	[hbm4b:s4+s2] =	stream.indirect_vreg.scatter [tilespmem:s25], [sflag:$0x2], $0x80, v13, vm0, $0xb8;
	[tilespmem:$0x13080] =	vst v63  }
0x63: {  	s26 =	simm.s32 $0x7880  }
0x64: {  	[hbm4b:s6+s2] =	stream.indirect_vreg.scatter [tilespmem:s26], [sflag:$0x2], $0x80, v13, vm0, $0xb8;
	[tilespmem:$0x13080] =	vst v63  }
0x65: {  	s25 =	simm.s32 $0x8080  }
0x66: {  	[hbm4b:s4+s2] =	stream.indirect_vreg.scatter [tilespmem:s25], [sflag:$0x2], $0x80, v12, vm0, $0xb8;
	[tilespmem:$0x13080] =	vst v63  }
0x67: {  	s26 =	simm.s32 $0x8880  }
0x68: {  	[hbm4b:s6+s2] =	stream.indirect_vreg.scatter [tilespmem:s26], [sflag:$0x2], $0x80, v12, vm0, $0xb8;
	[tilespmem:$0x13080] =	vst v63  }
0x69: {  	v12 =	vld.idx.msk [tilespmem:v4+s10+$0x0], $0xffff;
	_ =	sdelay $0x4  }
0x6a: {  	v59 =	vshll.u32 v12, $0x2  }
0x6b: {  	v12 =	vand.u32 $0x7, v12;
	v13 =	vand.u32 $0xFFFFFFE0, v59  }
0x6c: {  	v12 =	vor.u32 v12, v13  }
0x6d: {  	v13 =	vperm.xlane v12, v9;
	_ =	sdelay $0x1  }
0x6e: {  	v13 =	vadd.s32 v10, v13;
	_ =	sdelay $0x1  }
0x6f: {  	v12 =	vperm.xlane v12, v11;
	_ =	sdelay $0x1  }
0x70: {  	s25 =	simm.s32 $0x9080;
	v12 =	vadd.s32 v10, v12  }
0x71: {  	[hbm4b:s4+s2] =	stream.indirect_vreg.scatter [tilespmem:s25], [sflag:$0x2], $0x80, v13, vm0, $0xb8;
	[tilespmem:$0x13080] =	vst v63  }
0x72: {  	s26 =	simm.s32 $0x9880  }
0x73: {  	[hbm4b:s6+s2] =	stream.indirect_vreg.scatter [tilespmem:s26], [sflag:$0x2], $0x80, v13, vm0, $0xb8;
	[tilespmem:$0x13080] =	vst v63  }
0x74: {  	s25 =	simm.s32 $0xA080  }
0x75: {  	[hbm4b:s4+s2] =	stream.indirect_vreg.scatter [tilespmem:s25], [sflag:$0x2], $0x80, v12, vm0, $0xb8;
	[tilespmem:$0x13080] =	vst v63  }
0x76: {  	s26 =	simm.s32 $0xA880  }
0x77: {  	[hbm4b:s6+s2] =	stream.indirect_vreg.scatter [tilespmem:s26], [sflag:$0x2], $0x80, v12, vm0, $0xb8;
	[tilespmem:$0x13080] =	vst v63  }
0x78: {  	v12 =	vld.idx.msk [tilespmem:v5+s10+$0x0], $0xffff;
	_ =	sdelay $0x4  }
0x79: {  	v60 =	vshll.u32 v12, $0x2  }
0x7a: {  	v12 =	vand.u32 $0x7, v12;
	v13 =	vand.u32 $0xFFFFFFE0, v60  }
0x7b: {  	v12 =	vor.u32 v12, v13  }
0x7c: {  	v13 =	vperm.xlane v12, v9;
	_ =	sdelay $0x1  }
0x7d: {  	v13 =	vadd.s32 v10, v13;
	_ =	sdelay $0x1  }
0x7e: {  	v12 =	vperm.xlane v12, v11;
	_ =	sdelay $0x1  }
0x7f: {  	v12 =	vadd.s32 v10, v12  }
0x80: {  	[hbm4b:s4+s2] =	stream.indirect_vreg.scatter [tilespmem:s28], [sflag:$0x2], $0x80, v13, vm0, $0xb8;
	[tilespmem:$0x13080] =	vst v63  }
0x81: {  	_ = 	snop  }
0x82: {  	[hbm4b:s6+s2] =	stream.indirect_vreg.scatter [tilespmem:s29], [sflag:$0x2], $0x80, v13, vm0, $0xb8;
	[tilespmem:$0x13080] =	vst v63  }
0x83: {  	_ = 	snop  }
0x84: {  	[hbm4b:s4+s2] =	stream.indirect_vreg.scatter [tilespmem:s30], [sflag:$0x2], $0x80, v12, vm0, $0xb8;
	[tilespmem:$0x13080] =	vst v63  }
0x85: {  	_ = 	snop  }
0x86: {  	[hbm4b:s6+s2] =	stream.indirect_vreg.scatter [tilespmem:s31], [sflag:$0x2], $0x80, v12, vm0, $0xb8;
	[tilespmem:$0x13080] =	vst v63  }
0x87: {  	v12 =	vld.idx.msk [tilespmem:v6+s10+$0x0], $0xffff;
	_ =	sdelay $0x4  }
0x88: {  	v61 =	vshll.u32 v12, $0x2  }
0x89: {  	v12 =	vand.u32 $0x7, v12;
	v13 =	vand.u32 $0xFFFFFFE0, v61  }
0x8a: {  	v12 =	vor.u32 v12, v13  }
0x8b: {  	v13 =	vperm.xlane v12, v9;
	_ =	sdelay $0x1  }
0x8c: {  	v13 =	vadd.s32 v10, v13;
	_ =	sdelay $0x1  }
0x8d: {  	v12 =	vperm.xlane v12, v11;
	_ =	sdelay $0x1  }
0x8e: {  	v12 =	vadd.s32 v10, v12  }
0x8f: {  	[hbm4b:s4+s2] =	stream.indirect_vreg.scatter [tilespmem:s0], [sflag:$0x2], $0x80, v13, vm0, $0xb8;
	[tilespmem:$0x13080] =	vst v63  }
0x90: {  	_ = 	snop  }
0x91: {  	[hbm4b:s6+s2] =	stream.indirect_vreg.scatter [tilespmem:s1], [sflag:$0x2], $0x80, v13, vm0, $0xb8;
	[tilespmem:$0x13080] =	vst v63  }
0x92: {  	_ = 	snop  }
0x93: {  	[hbm4b:s4+s2] =	stream.indirect_vreg.scatter [tilespmem:s12], [sflag:$0x2], $0x80, v12, vm0, $0xb8;
	[tilespmem:$0x13080] =	vst v63  }
0x94: {  	_ = 	snop  }
0x95: {  	[hbm4b:s6+s2] =	stream.indirect_vreg.scatter [tilespmem:s13], [sflag:$0x2], $0x80, v12, vm0, $0xb8;
	[tilespmem:$0x13080] =	vst v63  }
0x96: {  	v12 =	vld.idx.msk [tilespmem:v7+s10+$0x0], $0xffff;
	_ =	sdelay $0x4  }
0x97: {  	v62 =	vshll.u32 v12, $0x2  }
0x98: {  	v12 =	vand.u32 $0x7, v12;
	v13 =	vand.u32 $0xFFFFFFE0, v62  }
0x99: {  	v12 =	vor.u32 v12, v13  }
0x9a: {  	v13 =	vperm.xlane v12, v9;
	_ =	sdelay $0x1  }
0x9b: {  	v13 =	vadd.s32 v10, v13;
	_ =	sdelay $0x1  }
0x9c: {  	v12 =	vperm.xlane v12, v11;
	_ =	sdelay $0x1  }
0x9d: {  	v12 =	vadd.s32 v10, v12  }
0x9e: {  	[hbm4b:s4+s2] =	stream.indirect_vreg.scatter [tilespmem:s14], [sflag:$0x2], $0x80, v13, vm0, $0xb8;
	[tilespmem:$0x13080] =	vst v63  }
0x9f: {  	_ = 	snop  }
0xa0: {  	[hbm4b:s6+s2] =	stream.indirect_vreg.scatter [tilespmem:s15], [sflag:$0x2], $0x80, v13, vm0, $0xb8;
	[tilespmem:$0x13080] =	vst v63  }
0xa1: {  	_ = 	snop  }
0xa2: {  	[hbm4b:s4+s2] =	stream.indirect_vreg.scatter [tilespmem:s16], [sflag:$0x2], $0x80, v12, vm0, $0xb8;
	[tilespmem:$0x13080] =	vst v63  }
0xa3: {  	_ = 	snop  }
0xa4: {  	[hbm4b:s6+s2] =	stream.indirect_vreg.scatter [tilespmem:s17], [sflag:$0x2], $0x80, v12, vm0, $0xb8;
	[tilespmem:$0x13080] =	vst v63  }
0xa5: {  	v12 =	vld.idx.msk [tilespmem:v8+s10+$0x0], $0xffff;
	_ =	sdelay $0x4  }
0xa6: {  	v63 =	vshll.u32 v12, $0x2  }
0xa7: {  	v12 =	vand.u32 $0x7, v12;
	v13 =	vand.u32 $0xFFFFFFE0, v63  }
0xa8: {  	v12 =	vor.u32 v12, v13  }
0xa9: {  	v13 =	vperm.xlane v12, v9;
	_ =	sdelay $0x1  }
0xaa: {  	v13 =	vadd.s32 v10, v13;
	_ =	sdelay $0x1  }
0xab: {  	v12 =	vperm.xlane v12, v11;
	_ =	sdelay $0x1  }
0xac: {  	v12 =	vadd.s32 v10, v12  }
0xad: {  	[hbm4b:s4+s2] =	stream.indirect_vreg.scatter [tilespmem:s18], [sflag:$0x2], $0x80, v13, vm0, $0xb8;
	[tilespmem:$0x13080] =	vst v63  }
0xae: {  	_ = 	snop  }
0xaf: {  	[hbm4b:s6+s2] =	stream.indirect_vreg.scatter [tilespmem:s19], [sflag:$0x2], $0x80, v13, vm0, $0xb8;
	[tilespmem:$0x13080] =	vst v63  }
0xb0: {  	_ = 	snop  }
0xb1: {  	[hbm4b:s4+s2] =	stream.indirect_vreg.scatter [tilespmem:s20], [sflag:$0x2], $0x80, v12, vm0, $0xb8;
	[tilespmem:$0x13080] =	vst v63  }
0xb2: {  	_ = 	snop  }
0xb3: {  	[hbm4b:s6+s2] =	stream.indirect_vreg.scatter [tilespmem:s21], [sflag:$0x2], $0x80, v12, vm0, $0xb8;
	[tilespmem:$0x13080] =	vst v63  }
0xb4: {  	_ =	swait.ge [sflag:s22], $0x2000  }
0xb5: {  	[sflag:s22] =	ssyncset.done $0x0  }
0xb6: {  	[sflag:s22] =	ssyncadd.s32 $0xFFFFE000  }
0xb7: {  	_ =	swait.ge [sflag:s22], $0x2000  }
0xb8: {  	[sflag:s22] =	ssyncset.done $0x0  }
0xb9: {  	[sflag:s22] =	ssyncadd.s32 $0xFFFFE000  }
0xba: {  	_ =	swait.ge [sflag:s22], $0x2000  }
0xbb: {  	[sflag:s22] =	ssyncset.done $0x0  }
0xbc: {  	[sflag:s22] =	ssyncadd.s32 $0xFFFFE000  }
0xbd: {  	_ =	swait.ge [sflag:s22], $0x2000  }
0xbe: {  	[sflag:s22] =	ssyncset.done $0x0  }
0xbf: {  	[sflag:s22] =	ssyncadd.s32 $0xFFFFE000  }
0xc0: {  	_ =	swait.ge [sflag:s22], $0x2000  }
0xc1: {  	[sflag:s22] =	ssyncset.done $0x0  }
0xc2: {  	[sflag:s22] =	ssyncadd.s32 $0xFFFFE000  }
0xc3: {  	_ =	swait.ge [sflag:s22], $0x2000  }
0xc4: {  	[sflag:s22] =	ssyncset.done $0x0  }
0xc5: {  	s23 =	sadd.s32 $0x1, s23;
	[sflag:s22] =	ssyncadd.s32 $0xFFFFE000  }
0xc6: {  	p0 =	sne.s32 s23, s7;
	_ =	swait.ge [sflag:s22], $0x2000  }
.Ltmp1:
0xc7: {  	[sflag:s22] =	ssyncset.done $0x0;
	(pc) =	sbr.rel @p0 .LBB2_1-.Ltmp1, $4  }
0xc8: {  	[sflag:s22] =	ssyncadd.s32 $0xFFFFE000  }
0xc9: {  	_ =	swait.ge [sflag:s22], $0x2000  }
0xca: {  	[sflag:s22] =	ssyncset.done $0x0  }
0xcb: {  	[sflag:s22] =	ssyncadd.s32 $0xFFFFE000  }
0xcc: {  	_ =	sfence.sel $0x180000  }
0xcd: {  	[bflag:$0x0] =	sbarrier.arrive $0xFFFF  }
0xce: {  	_ =	strace $0x90000047  }
0xcf: {  	s0 =	stileid.u32;
	[bflag:$0x2] =	sbarrier.arrive $0xFFFF  }
0xd0: {  	p0 =	sne.s32 s0, $0x0;
	s0 =	rddreg [dreg:$0x2]  }
0xd1: {  	s0 =	sadd.s32 @!p0 $0x100000, s0  }
0xd2: {  	[sflag:s0] =	ssyncadd.tile.s32 @!p0 $0x1;
	_ =	shalt  }
.Lfunc_end2:
_tile_overlayer_lowered:
.L_overlay_start_2:
0xd3: {  	(tag) =	ssettag $0x2  }
0xd4: {  	s0 =	rddreg [dreg:$0x0];
	s2 =	stileid.u32  }
0xd5: {  	s1 =	rddreg [dreg:$0x1];
	p0 =	sne.s32 s2, $0x0  }
0xd6: {  	s3 =	rddreg [dreg:$0x2];
	[bflag:$0x3] =	sbarrier.arrive $0xFFFF;
	s2 =	simm.s32 @!p0 $0x1C03  }
0xd7: {  	[timem:s3], [sflag:s2] =	dma.local @!p0 [hbm:s0], s1  }
0xd8: {  	s0 =	simm.s32 @!p0 $0x3  }
0xd9: {  	_ =	swait.ge @!p0 [sflag:s0], s1  }
0xda: {  	s1 =	ssub.s32 @!p0 $0x0, s1;
	[sflag:s0] =	ssyncset.done @!p0 $0x0  }
0xdb: {  	[sflag:s0] =	ssyncadd.s32 @!p0 s1  }
0xdc: {  	[bflag:$0x3] =	sbarrier.arrive $0xFFFF  }
0xdd: {  	_ =	shalt  }

// kernel: kernel.8.cloned.1.call-start
scs
__scs_entry_jumppad:
0x0: {  	(pc) =	sbr.rel $0x88, $3  }
0x1: {  	(tag) =	ssettag $0x0;
	lr =	simm.s32 $0x1  }
0x2: {  	[smem:$0x3F9A] =	sst lr;
	_ =	strace $0xD0000000  }
0x3: {  	_ = 	snop  }
0x4: {  	_ = 	snop  }
0x5: {  	_ = 	snop  }
0x6: {  	_ = 	snop  }
0x7: {  	_ = 	snop  }
__scs_overlays_trampoline_lowered:
0x8: {  	[smem:$0x3FA9] =	sst s0  }
0x9: {  	[smem:$0x3FAA] =	sst s1  }
0xa: {  	[smem:$0x3FAB] =	sst s2  }
0xb: {  	[smem:$0x3FAC] =	sst s3  }
0xc: {  	[smem:$0x3FAD] =	sst s4  }
0xd: {  	[smem:$0x3FAE] =	sst s5  }
0xe: {  	[smem:$0x3FAF] =	sst s6  }
0xf: {  	[smem:$0x3FB0] =	sst s7  }
0x10: {  	[smem:$0x3FB1] =	sst s8  }
0x11: {  	[smem:$0x3FB2] =	sst s9;
	s0 =	simm.s32 @!p0 $0x0  }
0x12: {  	s1 =	sld [smem:$0x3F98];
	s0 =	simm.s32 @p0 $0x1  }
0x13: {  	[smem:$0x3FB3] =	sst s0;
	s0 =	simm.s32 @!p1 $0x0  }
0x14: {  	s2 =	sld [smem:$0x3F97];
	s0 =	simm.s32 @p1 $0x1  }
0x15: {  	[smem:$0x3FB4] =	sst s0;
	s0 =	simm.s32 @!p2 $0x0  }
0x16: {  	s3 =	sld [smem:$0x3FDB];
	s0 =	simm.s32 @p2 $0x1  }
0x17: {  	s4 =	simm.s32 $0x1BF5;
	[smem:$0x3FB6] =	sst s0  }
0x18: {  	s0 =	sld [smem:$0x3F99];
	_ =	swait.ge [sflag:s4], $0x0  }
0x19: {  	s7 =	sld [smem:$0x3F9A]  }
0x1a: {  	s8 =	sadd.s32 $0xFFFFE003, lr  }
0x1b: {  	s9 =	sadd.s32 $0xFFFFFEF7, lr;
	s5 =	simm.s32 $0xFFFFFFFF;
	p2 =	slt.u32 s8, $0xFFFFF086  }
0x1c: {  	p1 =	slt.u32 s9, $0xF7A;
	s5 =	simm.s32 @!p2 $0x0  }
0x1d: {  	s5 =	simm.s32 @p1 $0x1;
	p0 =	seq.s32 s7, s2  }
0x1e: {  	s7 =	smul.u32 @!p0 $0xF7A, s2;
	p2 =	seq.s32 @!p0 s5, $0x0  }
0x1f: {  	s9 =	smul.u32 $0xF7A, s1;
	s8 =	simm.s32 @!p0 $0x1BF5;
	p2 =	por !p2, p0  }
0x20: {  	[sflag:s8] =	ssyncset.s32 @!p0 $0xFFFFF086;
	s6 =	sadd.s32 @!p0 s3, s7;
	s7 =	simm.s32 @!p0 $0x108  }
0x21: {  	s3 =	sadd.s32 s3, s9;
	s6 =	sadd.s32 @!p0 $0x88, s6;
	s7 =	simm.s32 @p2 $0x1082  }
0x22: {  	[simem:s7], [sflag:s8] =	dma.local @!p0 [hbm:s6], $0xF7A  }
0x23: {  	s9 =	sor.u32 $0xD0000000, s2;
	s6 =	simm.s32 $0x108;
	_ =	swait.ge @!p0 [sflag:s8], $0x0  }
0x24: {  	s3 =	sadd.s32 $0x88, s3;
	s6 =	simm.s32 @!p1 $0x1082;
	[sflag:s4] =	ssyncset.s32 $0xFFFFF086  }
0x25: {  	[simem:s6], [sflag:s4] =	dma.local [hbm:s3], $0xF7A  }
0x26: {  	[smem:$0x3F9A] =	sst s1;
	(tag) =	ssettag s2;
	_ =	strace s9  }
0x27: {  	s1 =	sld [smem:$0x3FAA]  }
0x28: {  	s2 =	sld [smem:$0x3FAB]  }
0x29: {  	s4 =	sld [smem:$0x3FAD]  }
0x2a: {  	p0 =	seq.s32 s5, $0x0;
	s5 =	sld [smem:$0x3FAE]  }
0x2b: {  	s6 =	sld [smem:$0x3FAF]  }
0x2c: {  	s7 =	sld [smem:$0x3FB0]  }
0x2d: {  	s3 =	simm.s32 $0x108;
	s8 =	sld [smem:$0x3FB1]  }
0x2e: {  	s3 =	simm.s32 @!p0 $0x1082;
	s9 =	sld [smem:$0x3FB2]  }
0x2f: {  	lr =	sadd.s32 s0, s3;
	s0 =	sld [smem:$0x3FA9]  }
0x30: {  	s3 =	sld [smem:$0x3FAC]  }
0x31: {  	[smem:$0x3FB5] =	sst s10  }
0x32: {  	s10 =	sld [smem:$0x3FB3];
	_ =	sdelay $0x3  }
0x33: {  	p0 =	seq.s32 s10, $0x1;
	s10 =	sld [smem:$0x3FB5];
	_ =	sdelay $0x3  }
0x34: {  	[smem:$0x3FB5] =	sst s10  }
0x35: {  	s10 =	sld [smem:$0x3FB4];
	_ =	sdelay $0x3  }
0x36: {  	p1 =	seq.s32 s10, $0x1;
	s10 =	sld [smem:$0x3FB5];
	_ =	sdelay $0x3  }
0x37: {  	[smem:$0x3FB5] =	sst s10  }
0x38: {  	s10 =	sld [smem:$0x3FB6]  }
0x39: {  	_ = 	snop;
	(pc) =	sbr.ind lr, $3  }
0x3a: {  	_ = 	snop  }
0x3b: {  	_ = 	snop  }
0x3c: {  	p2 =	seq.s32 s10, $0x1;
	s10 =	sld [smem:$0x3FB5]  }
0x3d: {  	_ =	shalt  }
0x3e: {  	_ =	shalt  }
0x3f: {  	_ =	shalt  }
0x40: {  	_ =	shalt  }
0x41: {  	_ =	shalt  }
0x42: {  	_ =	shalt  }
0x43: {  	_ =	shalt  }
0x44: {  	_ =	shalt  }
0x45: {  	_ =	shalt  }
0x46: {  	_ =	shalt  }
0x47: {  	_ =	shalt  }
0x48: {  	_ =	shalt  }
0x49: {  	_ =	shalt  }
0x4a: {  	_ =	shalt  }
0x4b: {  	_ =	shalt  }
0x4c: {  	_ =	shalt  }
0x4d: {  	_ =	shalt  }
0x4e: {  	_ =	shalt  }
0x4f: {  	_ =	shalt  }
0x50: {  	_ =	shalt  }
0x51: {  	_ =	shalt  }
0x52: {  	_ =	shalt  }
0x53: {  	_ =	shalt  }
0x54: {  	_ =	shalt  }
0x55: {  	_ =	shalt  }
0x56: {  	_ =	shalt  }
0x57: {  	_ =	shalt  }
0x58: {  	_ =	shalt  }
0x59: {  	_ =	shalt  }
0x5a: {  	_ =	shalt  }
0x5b: {  	_ =	shalt  }
0x5c: {  	_ =	shalt  }
0x5d: {  	_ =	shalt  }
0x5e: {  	_ =	shalt  }
0x5f: {  	_ =	shalt  }
0x60: {  	_ =	shalt  }
0x61: {  	_ =	shalt  }
0x62: {  	_ =	shalt  }
0x63: {  	_ =	shalt  }
0x64: {  	_ =	shalt  }
0x65: {  	_ =	shalt  }
0x66: {  	_ =	shalt  }
0x67: {  	_ =	shalt  }
0x68: {  	_ =	shalt  }
0x69: {  	_ =	shalt  }
0x6a: {  	_ =	shalt  }
0x6b: {  	_ =	shalt  }
0x6c: {  	_ =	shalt  }
0x6d: {  	_ =	shalt  }
0x6e: {  	_ =	shalt  }
0x6f: {  	_ =	shalt  }
0x70: {  	_ =	shalt  }
0x71: {  	_ =	shalt  }
0x72: {  	_ =	shalt  }
0x73: {  	_ =	shalt  }
0x74: {  	_ =	shalt  }
0x75: {  	_ =	shalt  }
0x76: {  	_ =	shalt  }
0x77: {  	_ =	shalt  }
0x78: {  	_ =	shalt  }
0x79: {  	_ =	shalt  }
0x7a: {  	_ =	shalt  }
0x7b: {  	_ =	shalt  }
0x7c: {  	_ =	shalt  }
0x7d: {  	_ =	shalt  }
0x7e: {  	_ =	shalt  }
0x7f: {  	_ =	shalt  }
0x80: {  	_ =	shalt  }
0x81: {  	_ =	shalt  }
0x82: {  	_ =	shalt  }
0x83: {  	_ =	shalt  }
0x84: {  	_ =	shalt  }
0x85: {  	_ =	shalt  }
0x86: {  	_ =	shalt  }
0x87: {  	_ =	shalt  }
.Lfunc_end0:
.L_simem_size_0:
called_computation.1_lowered:
.L_overlay_start_0:
0x88: {  	s2 =	sld [smem:$0x3FD9]  }
0x89: {  	s3 =	sld [smem:$0x3FFE];
	_ =	sdelay $0x1  }
0x8a: {  	s1 =	srdreg.scid  }
0x8b: {  	s0 =	sand.u32 $0x1, s1  }
0x8c: {  	s17 =	sshll.u32 s0, $0xA;
	s2 =	sadd.s32 s3, s2  }
0x8d: {  	s2 =	sadd.s32 s2, s17  }
0x8e: {  	[smem:$0x3FC1] =	sst s2  }
0x8f: {  	_ = 	snop  }
0x90: {  	s2 =	sld [smem:$0x3FD0];
	(tm) =	ssettm $0x1  }
0x91: {  	s18 =	sld [smem:$0x3FFB];
	_ =	sdelay $0x3  }
0x92: {  	_ =	strace s18  }
0x93: {  	s3 =	sld [smem:$0x3FFC];
	_ =	sdelay $0x3  }
0x94: {  	_ =	strace s3  }
0x95: {  	s3 =	sld [smem:$0x3FFD];
	_ =	sdelay $0x3  }
0x96: {  	_ =	strace s3  }
0x97: {  	_ =	strace $0x8FFFFFFF  }
0x98: {  	s19 =	sld [smem:$0x3FDB];
	_ =	sdelay $0x1  }
0x99: {  	s4 =	simm.s32 $_scs_section_size  }
0x9a: {  	s5 =	simm.s32 $_size__tile_overlayer_lowered;
	s6 =	simm.s32 $_tile_overlayer_lowered  }
0x9b: {  	s22 =	simm.s32 $0x1BFF;
	s21 =	sshll.u32 s6, $0x1;
	s3 =	sadd.s32 s4, s19  }
0x9c: {  	s7 =	simm.s32 $0x0;
	s20 =	sshll.u32 s5, $0x1;
	s5 =	sadd.s32 s21, s3  }
0x9d: {  	[timem:s7], [sflag:s22] =	dma.local [hbm:s5], s20  }
0x9e: {  	_ =	swait.ge [sflag:s22], s20  }
0x9f: {  	s4 =	ssub.s32 $0x0, s20;
	[sflag:s22] =	ssyncset.done $0x0  }
0xa0: {  	[sflag:s22] =	ssyncadd.s32 s4;
	_ =	sdelay $0x1  }
0xa1: {  	s23 =	simm.s32 $0x1B8B  }
0xa2: {  	_ =	swait.ge [sflag:s23], $0x1  }
0xa3: {  	[sflag:s23] =	ssyncset.done $0x0  }
0xa4: {  	s25 =	simm.s32 $0x1B8E;
	s24 =	sld [smem:$0x3FFE];
	[sflag:s23] =	ssyncadd.s32 $0xFFFFFFFF  }
0xa5: {  	s26 =	simm.s32 $execute0_lowered;
	[smem:$0x3FD2] =	sst s25  }
0xa6: {  	s5 =	sshll.u32 s26, $0x1;
	_ =	strace $0x80000049;
	[dreg:$0x1] =	wrdreg $0xFFFFFFFF  }
0xa7: {  	s28 =	simm.s32 $_size_execute0_lowered;
	s3 =	sadd.s32 s3, s5;
	[dreg:$0x0] =	wrdreg $0x0  }
0xa8: {  	s5 =	sshll.u32 s28, $0x1;
	[dreg:$0x2] =	wrdreg s3  }
0xa9: {  	[dreg:$0x3] =	wrdreg s5  }
0xaa: {  	[dreg:$0x4] =	wrdreg $0xC0  }
0xab: {  	_ =	task [dreg:s7], $0x5FFFF  }
0xac: {  	[dreg:$0x1] =	wrdreg $0xFFFFFFFF  }
0xad: {  	[dreg:$0x0] =	wrdreg $0x60  }
0xae: {  	[dreg:$0x2] =	wrdreg s24  }
0xaf: {  	[dreg:$0x3] =	wrdreg s2  }
0xb0: {  	[dreg:$0x4] =	wrdreg $0x9  }
0xb1: {  	_ =	task.clear_ibuf [dreg:s7], $0x5FFFF;
	_ =	strace $0x90000049  }
0xb2: {  	s29 =	simm.s32 $0x9;
	_ =	strace $0x8000004B  }
0xb3: {  	_ =	swait.ge [sflag:s29], $0x1  }
0xb4: {  	[sflag:s29] =	ssyncadd.s32 $0xFFFFFFFF  }
0xb5: {  	_ =	strace $0x9000004B  }
0xb6: {  	_ =	sfence  }
0xb7: {  	s30 =	sld [smem:$0x0];
	_ =	sdelay $0x2  }
0xb8: {  	s31 =	sshll.u32 s1, $0xD;
	s1 =	sshrl.u32 s1, $0x2  }
0xb9: {  	s3 =	sand.u32 $0x4000, s31;
	s1 =	sadd.s32 s1, s30  }
0xba: {  	s0 =	sor.u32 s3, s0;
	s1 =	sshll.u32 s1, $0x11  }
0xbb: {  	s0 =	sor.u32 s1, s0  }
0xbc: {  	s0 =	sadd.s32 $0x8F2B, s0  }
0xbd: {  	[sflag:s0] =	ssyncadd.remote.s32 $0x1  }
0xbe: {  	_ =	sfence.sel $0xFFFF  }
0xbf: {  	[dreg:$0x0] =	wrdreg $0xFFFFFFFF;
	(pc) =	sbr.abs _section_cstart, $3  }
0xc0: {  	[dreg:$0x1] =	wrdreg $0xFFFFFFFF  }
0xc1: {  	_ =	task.clear_ibuf [dreg:s7], $0x2FFFF;
	_ =	strace $0x9FFFFFFF  }
0xc2: {  	(tm) =	ssettm $0x7FFFFFFF  }
0xc3: {  	_ =	shalt  }
tec
execute0_lowered:
.L_overlay_start_1:
0x0: {  	(tag) =	ssettag $0x1  }
0x1: {  	s3 =	srdreg.scid  }
0x2: {  	s4 =	stileid.u32;
	s3 =	sand.u32 $0x1, s3  }
0x3: {  	s0 =	rddreg [dreg:$0x0];
	s4 =	sshll.u32 s4, $0x8;
	s6 =	sshll.u32 s3, $0x7  }
0x4: {  	s1 =	rddreg [dreg:$0x1];
	s2 =	simm.s32 $0x0;
	s8 =	sor.u32 s6, s4  }
0x5: {  	s9 =	simm.s32 $0x2000;
	s10 =	simm.s32 $0x3080;
	s25 =	simm.s32 $0xA880;
	v0 =	vmov s8  }
0x6: {  	s26 =	simm.s32 $0xB080;
	s28 =	simm.s32 $0xB880;
	s29 =	simm.s32 $0xC080;
	v0 =	vshrl.u32 v0, $0x7  }
0x7: {  	s30 =	simm.s32 $0xC880;
	s31 =	simm.s32 $0xD080;
	s11 =	simm.s32 $0xE880;
	v0 =	vshll.u32 v0, $0x7  }
0x8: {  	s12 =	simm.s32 $0xF080;
	s13 =	simm.s32 $0xF880;
	s14 =	simm.s32 $0x10080;
	v8 =	vbroadcast v0, $0x0;
	v0 =	vlaneseq.u32  }
0x9: {  	s15 =	simm.s32 $0x10880;
	vm0 =	vmmov $0xffff;
	s16 =	simm.s32 $0x11080;
	s17 =	simm.s32 $0x11880;
	v2 =	vor.u32 $0x10, v0  }
0xa: {  	s18 =	simm.s32 $0x12080;
	s19 =	simm.s32 $0x12880;
	s20 =	simm.s32 $0x1;
	v3 =	vor.u32 $0x20, v0;
	v4 =	vor.u32 $0x30, v0;
	v5 =	vor.u32 $0x40, v0  }
0xb: {  	s21 =	simm.s32 $0x0;
	[smem:$0x7FF] =	sst s2;
	s5 =	ssub.s32 $0x2, s3;
	v6 =	vor.u32 $0x50, v0;
	v7 =	vor.u32 $0x60, v0;
	v9 =	vor.u32 $0x70, v0  }
0xc: {  	_ =	strace $0x8000004A;
	s3 =	sadd.s32 $0x1600, s0;
	s7 =	sshrl.u32 s5, $0x1;
	v10 =	vshrl.u32 v0, $0x3;
	v11 =	vor.u32 $0x8, v0;
	v1 =	vor.u32 v0, v8  }
0xd: {  	s4 =	sadd.s32 $0x1200, s0;
	s7 =	ssub.s32 s5, s7;
	s6 =	sshll.u32 s8, $0x6;
	v2 =	vor.u32 v2, v8;
	v3 =	vor.u32 v3, v8;
	v4 =	vor.u32 v4, v8  }
0xe: {  	s5 =	sadd.s32 $0x1700, s0;
	s8 =	simm.s32 $0x2;
	s0 =	simm.s32 $0xD880;
	v5 =	vor.u32 v5, v8;
	v6 =	vor.u32 v6, v8;
	v7 =	vor.u32 v7, v8  }
0xf: {  	s6 =	sadd.s32 s1, s6;
	s7 =	smax.u32 s7, $0x1;
	s1 =	simm.s32 $0xE080;
	v8 =	vor.u32 v9, v8;
	v9 =	vand.u32 $0x7, v0;
	v10 =	vmul.u32 $0x8, v10  }
.LBB2_1:
0x10: {  	[tilespmem:s2], [sflag:$0x2] =	stream.linear.gather [hbm4b:s4+s2], $0x2000, $0x38;
	[tilespmem:$0x13080] =	vst v63  }
0x11: {  	_ =	swait.ge [sflag:s8], $0x2000  }
0x12: {  	[sflag:s8] =	ssyncset.done $0x0  }
0x13: {  	s22 =	simm.s32 $0x70;
	s23 =	simm.s32 $0x40;
	[sflag:s8] =	ssyncadd.s32 $0xFFFFE000  }
.LBB2_2:
0x14: {  	v12 =	vld [tilespmem:s23+$0xFFFFFFC0];
	_ =	sdelay $0x5  }
0x15: {  	s24 =	sadd.s32 $0xFFFFFF90, s22  }
0x16: {  	v13 =	vor.u32 s24, v0  }
0x17: {  	[tilespmem:v12+s9+$0x0] =	vst.idx.msk $0xffff, v13  }
0x18: {  	v12 =	vld [tilespmem:s23+$0xFFFFFFD0];
	_ =	sdelay $0x5  }
0x19: {  	s24 =	sadd.s32 $0xFFFFFFA0, s22  }
0x1a: {  	v57 =	vor.u32 s24, v0  }
0x1b: {  	[tilespmem:v12+s9+$0x0] =	vst.idx.msk $0xffff, v57  }
0x1c: {  	v12 =	vld [tilespmem:s23+$0xFFFFFFE0];
	_ =	sdelay $0x5  }
0x1d: {  	s24 =	sadd.s32 $0xFFFFFFB0, s22  }
0x1e: {  	v58 =	vor.u32 s24, v0  }
0x1f: {  	[tilespmem:v12+s9+$0x0] =	vst.idx.msk $0xffff, v58  }
0x20: {  	v12 =	vld [tilespmem:s23+$0xFFFFFFF0];
	_ =	sdelay $0x5  }
0x21: {  	s24 =	sadd.s32 $0xFFFFFFC0, s22  }
0x22: {  	v59 =	vor.u32 s24, v0  }
0x23: {  	[tilespmem:v12+s9+$0x0] =	vst.idx.msk $0xffff, v59  }
0x24: {  	v12 =	vld [tilespmem:s23+$0x0];
	_ =	sdelay $0x5  }
0x25: {  	s24 =	sadd.s32 $0xFFFFFFD0, s22  }
0x26: {  	v60 =	vor.u32 s24, v0  }
0x27: {  	[tilespmem:v12+s9+$0x0] =	vst.idx.msk $0xffff, v60  }
0x28: {  	v12 =	vld [tilespmem:s23+$0x10];
	_ =	sdelay $0x5  }
0x29: {  	s24 =	sadd.s32 $0xFFFFFFE0, s22  }
0x2a: {  	v61 =	vor.u32 s24, v0  }
0x2b: {  	[tilespmem:v12+s9+$0x0] =	vst.idx.msk $0xffff, v61  }
0x2c: {  	v12 =	vld [tilespmem:s23+$0x20];
	_ =	sdelay $0x5  }
0x2d: {  	s24 =	sadd.s32 $0xFFFFFFF0, s22  }
0x2e: {  	v62 =	vor.u32 s24, v0  }
0x2f: {  	[tilespmem:v12+s9+$0x0] =	vst.idx.msk $0xffff, v62  }
0x30: {  	v12 =	vld [tilespmem:s23+$0x30];
	_ =	sdelay $0x2  }
0x31: {  	p0 =	sne.s32 s22, $0x1FF0  }
.Ltmp0:
0x32: {  	_ = 	snop;
	(pc) =	sbr.rel @p0 .LBB2_2-.Ltmp0, $3  }
0x33: {  	_ =	sdelay $0x1  }
0x34: {  	v63 =	vor.u32 s22, v0  }
0x35: {  	s22 =	sadd.s32 $0x80, s22;
	s23 =	sadd.s32 $0x80, s23;
	[tilespmem:v12+s9+$0x0] =	vst.idx.msk $0xffff, v63  }
0x36: {  	_ =	sdelay $0x3  }
0x37: {  	v12 =	vld.idx.msk [tilespmem:v1+s9+$0x0], $0xffff;
	_ =	sdelay $0x4  }
0x38: {  	v13 =	vshll.u32 v12, $0x2  }
0x39: {  	v12 =	vand.u32 $0x7, v12;
	v13 =	vand.u32 $0xFFFFFFE0, v13  }
0x3a: {  	v12 =	vor.u32 v12, v13  }
0x3b: {  	v13 =	vperm.xlane v12, v9;
	_ =	sdelay $0x1  }
0x3c: {  	v13 =	vadd.s32 v10, v13;
	_ =	sdelay $0x1  }
0x3d: {  	v12 =	vperm.xlane v12, v11;
	_ =	sdelay $0x1  }
0x3e: {  	v12 =	vadd.s32 v10, v12  }
0x3f: {  	[tilespmem:s10], [sflag:$0x1] =	stream.indirect_vreg.gather [hbm4b:s3+s2], $0x80, v13, vm0, $0xb8;
	[tilespmem:$0x13080] =	vst v63  }
0x40: {  	s22 =	simm.s32 $0x3880  }
0x41: {  	[tilespmem:s22], [sflag:$0x1] =	stream.indirect_vreg.gather [hbm4b:s5+s2], $0x80, v13, vm0, $0xb8;
	[tilespmem:$0x13080] =	vst v63  }
0x42: {  	s24 =	simm.s32 $0x4080  }
0x43: {  	[tilespmem:s24], [sflag:$0x1] =	stream.indirect_vreg.gather [hbm4b:s3+s2], $0x80, v12, vm0, $0xb8;
	[tilespmem:$0x13080] =	vst v63  }
0x44: {  	s23 =	simm.s32 $0x4880  }
0x45: {  	[tilespmem:s23], [sflag:$0x1] =	stream.indirect_vreg.gather [hbm4b:s5+s2], $0x80, v12, vm0, $0xb8;
	[tilespmem:$0x13080] =	vst v63  }
0x46: {  	v12 =	vld.idx.msk [tilespmem:v2+s9+$0x0], $0xffff;
	_ =	sdelay $0x4  }
0x47: {  	v57 =	vshll.u32 v12, $0x2  }
0x48: {  	v12 =	vand.u32 $0x7, v12;
	v13 =	vand.u32 $0xFFFFFFE0, v57  }
0x49: {  	v12 =	vor.u32 v12, v13  }
0x4a: {  	v13 =	vperm.xlane v12, v9;
	_ =	sdelay $0x1  }
0x4b: {  	v13 =	vadd.s32 v10, v13;
	_ =	sdelay $0x1  }
0x4c: {  	v12 =	vperm.xlane v12, v11;
	_ =	sdelay $0x1  }
0x4d: {  	s24 =	simm.s32 $0x5080;
	v12 =	vadd.s32 v10, v12  }
0x4e: {  	[tilespmem:s24], [sflag:$0x1] =	stream.indirect_vreg.gather [hbm4b:s3+s2], $0x80, v13, vm0, $0xb8;
	[tilespmem:$0x13080] =	vst v63  }
0x4f: {  	s23 =	simm.s32 $0x5880  }
0x50: {  	[tilespmem:s23], [sflag:$0x1] =	stream.indirect_vreg.gather [hbm4b:s5+s2], $0x80, v13, vm0, $0xb8;
	[tilespmem:$0x13080] =	vst v63  }
0x51: {  	s24 =	simm.s32 $0x6080  }
0x52: {  	[tilespmem:s24], [sflag:$0x1] =	stream.indirect_vreg.gather [hbm4b:s3+s2], $0x80, v12, vm0, $0xb8;
	[tilespmem:$0x13080] =	vst v63  }
0x53: {  	s23 =	simm.s32 $0x6880  }
0x54: {  	[tilespmem:s23], [sflag:$0x1] =	stream.indirect_vreg.gather [hbm4b:s5+s2], $0x80, v12, vm0, $0xb8;
	[tilespmem:$0x13080] =	vst v63  }
0x55: {  	v12 =	vld.idx.msk [tilespmem:v3+s9+$0x0], $0xffff;
	_ =	sdelay $0x4  }
0x56: {  	v58 =	vshll.u32 v12, $0x2  }
0x57: {  	v12 =	vand.u32 $0x7, v12;
	v13 =	vand.u32 $0xFFFFFFE0, v58  }
0x58: {  	v12 =	vor.u32 v12, v13  }
0x59: {  	v13 =	vperm.xlane v12, v9;
	_ =	sdelay $0x1  }
0x5a: {  	v13 =	vadd.s32 v10, v13;
	_ =	sdelay $0x1  }
0x5b: {  	v12 =	vperm.xlane v12, v11;
	_ =	sdelay $0x1  }
0x5c: {  	s24 =	simm.s32 $0x7080;
	v12 =	vadd.s32 v10, v12  }
0x5d: {  	[tilespmem:s24], [sflag:$0x1] =	stream.indirect_vreg.gather [hbm4b:s3+s2], $0x80, v13, vm0, $0xb8;
	[tilespmem:$0x13080] =	vst v63  }
0x5e: {  	s23 =	simm.s32 $0x7880  }
0x5f: {  	[tilespmem:s23], [sflag:$0x1] =	stream.indirect_vreg.gather [hbm4b:s5+s2], $0x80, v13, vm0, $0xb8;
	[tilespmem:$0x13080] =	vst v63  }
0x60: {  	s24 =	simm.s32 $0x8080  }
0x61: {  	[tilespmem:s24], [sflag:$0x1] =	stream.indirect_vreg.gather [hbm4b:s3+s2], $0x80, v12, vm0, $0xb8;
	[tilespmem:$0x13080] =	vst v63  }
0x62: {  	s23 =	simm.s32 $0x8880  }
0x63: {  	[tilespmem:s23], [sflag:$0x1] =	stream.indirect_vreg.gather [hbm4b:s5+s2], $0x80, v12, vm0, $0xb8;
	[tilespmem:$0x13080] =	vst v63  }
0x64: {  	v12 =	vld.idx.msk [tilespmem:v4+s9+$0x0], $0xffff;
	_ =	sdelay $0x4  }
0x65: {  	v59 =	vshll.u32 v12, $0x2  }
0x66: {  	v12 =	vand.u32 $0x7, v12;
	v13 =	vand.u32 $0xFFFFFFE0, v59  }
0x67: {  	v12 =	vor.u32 v12, v13  }
0x68: {  	v13 =	vperm.xlane v12, v9;
	_ =	sdelay $0x1  }
0x69: {  	v13 =	vadd.s32 v10, v13;
	_ =	sdelay $0x1  }
0x6a: {  	v12 =	vperm.xlane v12, v11;
	_ =	sdelay $0x1  }
0x6b: {  	s24 =	simm.s32 $0x9080;
	v12 =	vadd.s32 v10, v12  }
0x6c: {  	[tilespmem:s24], [sflag:$0x1] =	stream.indirect_vreg.gather [hbm4b:s3+s2], $0x80, v13, vm0, $0xb8;
	[tilespmem:$0x13080] =	vst v63  }
0x6d: {  	s23 =	simm.s32 $0x9880  }
0x6e: {  	[tilespmem:s23], [sflag:$0x1] =	stream.indirect_vreg.gather [hbm4b:s5+s2], $0x80, v13, vm0, $0xb8;
	[tilespmem:$0x13080] =	vst v63  }
0x6f: {  	s24 =	simm.s32 $0xA080  }
0x70: {  	[tilespmem:s24], [sflag:$0x1] =	stream.indirect_vreg.gather [hbm4b:s3+s2], $0x80, v12, vm0, $0xb8;
	[tilespmem:$0x13080] =	vst v63  }
0x71: {  	_ = 	snop  }
0x72: {  	[tilespmem:s25], [sflag:$0x1] =	stream.indirect_vreg.gather [hbm4b:s5+s2], $0x80, v12, vm0, $0xb8;
	[tilespmem:$0x13080] =	vst v63  }
0x73: {  	v12 =	vld.idx.msk [tilespmem:v5+s9+$0x0], $0xffff;
	_ =	sdelay $0x4  }
0x74: {  	v60 =	vshll.u32 v12, $0x2  }
0x75: {  	v12 =	vand.u32 $0x7, v12;
	v13 =	vand.u32 $0xFFFFFFE0, v60  }
0x76: {  	v12 =	vor.u32 v12, v13  }
0x77: {  	v13 =	vperm.xlane v12, v9;
	_ =	sdelay $0x1  }
0x78: {  	v13 =	vadd.s32 v10, v13;
	_ =	sdelay $0x1  }
0x79: {  	v12 =	vperm.xlane v12, v11;
	_ =	sdelay $0x1  }
0x7a: {  	v12 =	vadd.s32 v10, v12  }
0x7b: {  	[tilespmem:s26], [sflag:$0x1] =	stream.indirect_vreg.gather [hbm4b:s3+s2], $0x80, v13, vm0, $0xb8;
	[tilespmem:$0x13080] =	vst v63  }
0x7c: {  	_ = 	snop  }
0x7d: {  	[tilespmem:s28], [sflag:$0x1] =	stream.indirect_vreg.gather [hbm4b:s5+s2], $0x80, v13, vm0, $0xb8;
	[tilespmem:$0x13080] =	vst v63  }
0x7e: {  	_ = 	snop  }
0x7f: {  	[tilespmem:s29], [sflag:$0x1] =	stream.indirect_vreg.gather [hbm4b:s3+s2], $0x80, v12, vm0, $0xb8;
	[tilespmem:$0x13080] =	vst v63  }
0x80: {  	_ = 	snop  }
0x81: {  	[tilespmem:s30], [sflag:$0x1] =	stream.indirect_vreg.gather [hbm4b:s5+s2], $0x80, v12, vm0, $0xb8;
	[tilespmem:$0x13080] =	vst v63  }
0x82: {  	v12 =	vld.idx.msk [tilespmem:v6+s9+$0x0], $0xffff;
	_ =	sdelay $0x4  }
0x83: {  	v61 =	vshll.u32 v12, $0x2  }
0x84: {  	v12 =	vand.u32 $0x7, v12;
	v13 =	vand.u32 $0xFFFFFFE0, v61  }
0x85: {  	v12 =	vor.u32 v12, v13  }
0x86: {  	v13 =	vperm.xlane v12, v9;
	_ =	sdelay $0x1  }
0x87: {  	v13 =	vadd.s32 v10, v13;
	_ =	sdelay $0x1  }
0x88: {  	v12 =	vperm.xlane v12, v11;
	_ =	sdelay $0x1  }
0x89: {  	v12 =	vadd.s32 v10, v12  }
0x8a: {  	[tilespmem:s31], [sflag:$0x1] =	stream.indirect_vreg.gather [hbm4b:s3+s2], $0x80, v13, vm0, $0xb8;
	[tilespmem:$0x13080] =	vst v63  }
0x8b: {  	_ = 	snop  }
0x8c: {  	[tilespmem:s0], [sflag:$0x1] =	stream.indirect_vreg.gather [hbm4b:s5+s2], $0x80, v13, vm0, $0xb8;
	[tilespmem:$0x13080] =	vst v63  }
0x8d: {  	_ = 	snop  }
0x8e: {  	[tilespmem:s1], [sflag:$0x1] =	stream.indirect_vreg.gather [hbm4b:s3+s2], $0x80, v12, vm0, $0xb8;
	[tilespmem:$0x13080] =	vst v63  }
0x8f: {  	_ = 	snop  }
0x90: {  	[tilespmem:s11], [sflag:$0x1] =	stream.indirect_vreg.gather [hbm4b:s5+s2], $0x80, v12, vm0, $0xb8;
	[tilespmem:$0x13080] =	vst v63  }
0x91: {  	v12 =	vld.idx.msk [tilespmem:v7+s9+$0x0], $0xffff;
	_ =	sdelay $0x4  }
0x92: {  	v62 =	vshll.u32 v12, $0x2  }
0x93: {  	v12 =	vand.u32 $0x7, v12;
	v13 =	vand.u32 $0xFFFFFFE0, v62  }
0x94: {  	v12 =	vor.u32 v12, v13  }
0x95: {  	v13 =	vperm.xlane v12, v9;
	_ =	sdelay $0x1  }
0x96: {  	v13 =	vadd.s32 v10, v13;
	_ =	sdelay $0x1  }
0x97: {  	v12 =	vperm.xlane v12, v11;
	_ =	sdelay $0x1  }
0x98: {  	v12 =	vadd.s32 v10, v12  }
0x99: {  	[tilespmem:s12], [sflag:$0x1] =	stream.indirect_vreg.gather [hbm4b:s3+s2], $0x80, v13, vm0, $0xb8;
	[tilespmem:$0x13080] =	vst v63  }
0x9a: {  	_ = 	snop  }
0x9b: {  	[tilespmem:s13], [sflag:$0x1] =	stream.indirect_vreg.gather [hbm4b:s5+s2], $0x80, v13, vm0, $0xb8;
	[tilespmem:$0x13080] =	vst v63  }
0x9c: {  	_ = 	snop  }
0x9d: {  	[tilespmem:s14], [sflag:$0x1] =	stream.indirect_vreg.gather [hbm4b:s3+s2], $0x80, v12, vm0, $0xb8;
	[tilespmem:$0x13080] =	vst v63  }
0x9e: {  	_ = 	snop  }
0x9f: {  	[tilespmem:s15], [sflag:$0x1] =	stream.indirect_vreg.gather [hbm4b:s5+s2], $0x80, v12, vm0, $0xb8;
	[tilespmem:$0x13080] =	vst v63  }
0xa0: {  	v12 =	vld.idx.msk [tilespmem:v8+s9+$0x0], $0xffff;
	_ =	sdelay $0x4  }
0xa1: {  	v63 =	vshll.u32 v12, $0x2  }
0xa2: {  	v12 =	vand.u32 $0x7, v12;
	v13 =	vand.u32 $0xFFFFFFE0, v63  }
0xa3: {  	v12 =	vor.u32 v12, v13  }
0xa4: {  	v13 =	vperm.xlane v12, v9;
	_ =	sdelay $0x1  }
0xa5: {  	v13 =	vadd.s32 v10, v13;
	_ =	sdelay $0x1  }
0xa6: {  	v12 =	vperm.xlane v12, v11;
	_ =	sdelay $0x1  }
0xa7: {  	v12 =	vadd.s32 v10, v12  }
0xa8: {  	[tilespmem:s16], [sflag:$0x1] =	stream.indirect_vreg.gather [hbm4b:s3+s2], $0x80, v13, vm0, $0xb8;
	[tilespmem:$0x13080] =	vst v63  }
0xa9: {  	_ = 	snop  }
0xaa: {  	[tilespmem:s17], [sflag:$0x1] =	stream.indirect_vreg.gather [hbm4b:s5+s2], $0x80, v13, vm0, $0xb8;
	[tilespmem:$0x13080] =	vst v63  }
0xab: {  	_ = 	snop  }
0xac: {  	[tilespmem:s18], [sflag:$0x1] =	stream.indirect_vreg.gather [hbm4b:s3+s2], $0x80, v12, vm0, $0xb8;
	[tilespmem:$0x13080] =	vst v63  }
0xad: {  	_ = 	snop  }
0xae: {  	[tilespmem:s19], [sflag:$0x1] =	stream.indirect_vreg.gather [hbm4b:s5+s2], $0x80, v12, vm0, $0xb8;
	[tilespmem:$0x13080] =	vst v63  }
0xaf: {  	_ =	swait.ge [sflag:s20], $0x2000  }
0xb0: {  	[sflag:s20] =	ssyncset.done $0x0  }
0xb1: {  	[sflag:s20] =	ssyncadd.s32 $0xFFFFE000  }
0xb2: {  	_ =	swait.ge [sflag:s20], $0x2000  }
0xb3: {  	[sflag:s20] =	ssyncset.done $0x0  }
0xb4: {  	[sflag:s20] =	ssyncadd.s32 $0xFFFFE000  }
0xb5: {  	_ =	swait.ge [sflag:s20], $0x2000  }
0xb6: {  	[sflag:s20] =	ssyncset.done $0x0  }
0xb7: {  	[sflag:s20] =	ssyncadd.s32 $0xFFFFE000  }
0xb8: {  	_ =	swait.ge [sflag:s20], $0x2000  }
0xb9: {  	[sflag:s20] =	ssyncset.done $0x0  }
0xba: {  	[sflag:s20] =	ssyncadd.s32 $0xFFFFE000  }
0xbb: {  	_ =	swait.ge [sflag:s20], $0x2000  }
0xbc: {  	[sflag:s20] =	ssyncset.done $0x0  }
0xbd: {  	[sflag:s20] =	ssyncadd.s32 $0xFFFFE000  }
0xbe: {  	_ =	swait.ge [sflag:s20], $0x2000  }
0xbf: {  	[sflag:s20] =	ssyncset.done $0x0  }
0xc0: {  	[sflag:s20] =	ssyncadd.s32 $0xFFFFE000  }
0xc1: {  	_ =	swait.ge [sflag:s20], $0x2000  }
0xc2: {  	[sflag:s20] =	ssyncset.done $0x0  }
0xc3: {  	[sflag:s20] =	ssyncadd.s32 $0xFFFFE000  }
0xc4: {  	s21 =	sadd.s32 $0x1, s21;
	_ =	swait.ge [sflag:s20], $0x2000  }
0xc5: {  	p0 =	sne.s32 s21, s7;
	[sflag:s20] =	ssyncset.done $0x0  }
.Ltmp1:
0xc6: {  	[sflag:s20] =	ssyncadd.s32 $0xFFFFE000;
	(pc) =	sbr.rel @p0 .LBB2_1-.Ltmp1, $4  }
0xc7: {  	[hbm4b:s6+s2] =	stream.linear.scatter [tilespmem:s10], [sflag:$0x2], $0x10000, $0x38;
	[tilespmem:$0x13080] =	vst v63  }
0xc8: {  	_ =	swait.ge [sflag:s8], $0x10000  }
0xc9: {  	[sflag:s8] =	ssyncset.done $0x0  }
0xca: {  	[sflag:s8] =	ssyncadd.s32 $0xFFFF0000  }
0xcb: {  	_ =	sfence.sel $0x180000  }
0xcc: {  	[bflag:$0x0] =	sbarrier.arrive $0xFFFF  }
0xcd: {  	_ =	strace $0x9000004A  }
0xce: {  	s0 =	stileid.u32;
	[bflag:$0x2] =	sbarrier.arrive $0xFFFF  }
0xcf: {  	p0 =	sne.s32 s0, $0x0;
	s0 =	rddreg [dreg:$0x2]  }
0xd0: {  	s0 =	sadd.s32 @!p0 $0x100000, s0  }
0xd1: {  	[sflag:s0] =	ssyncadd.tile.s32 @!p0 $0x1;
	_ =	shalt  }
.Lfunc_end2:
_tile_overlayer_lowered:
.L_overlay_start_2:
0xd2: {  	(tag) =	ssettag $0x2  }
0xd3: {  	s0 =	rddreg [dreg:$0x0];
	s2 =	stileid.u32  }
0xd4: {  	s1 =	rddreg [dreg:$0x1];
	p0 =	sne.s32 s2, $0x0  }
0xd5: {  	s3 =	rddreg [dreg:$0x2];
	[bflag:$0x3] =	sbarrier.arrive $0xFFFF;
	s2 =	simm.s32 @!p0 $0x1C02  }
0xd6: {  	[timem:s3], [sflag:s2] =	dma.local @!p0 [hbm:s0], s1  }
0xd7: {  	s0 =	simm.s32 @!p0 $0x2  }
0xd8: {  	_ =	swait.ge @!p0 [sflag:s0], s1  }
0xd9: {  	s1 =	ssub.s32 @!p0 $0x0, s1;
	[sflag:s0] =	ssyncset.done @!p0 $0x0  }
0xda: {  	[sflag:s0] =	ssyncadd.s32 @!p0 s1  }
0xdb: {  	[bflag:$0x3] =	sbarrier.arrive $0xFFFF  }
0xdc: {  	_ =	shalt  }

</sc_bundles>
